<compile_context>
chip_gen: v7x
topology: tpu7x:2x2x1
jax: 0.10.2.dev20260603
libtpu: 0.0.44.dev20260713+nightly
codegen_flags: <defaults>
</compile_context>

<pallas_src>
import functools

import jax
import jax.numpy as jnp
from jax import lax
from jax.experimental import pallas as pl
from jax.experimental.pallas import tpu as pltpu
from jax.experimental.pallas import tpu_sc as plsc

B, N, F, H, V = 512, 128, 4, 128, 100000

NC, NS, L = 2, 16, 16
NW = NC * NS
B_PER_W = B // NW
C = N // 2
CR = C * F
G = 2
GROWS = CR // G


def _fire_chunk(table_hbm, idx_all, i, h, rows_v, sem):
    r = (i * 2 + h) * G
    for g in range(G):
        pltpu.async_copy(
            table_hbm.at[idx_all.at[r + g]],
            rows_v.at[pl.ds(g * GROWS, GROWS)],
            sem,
        )


def _drain_chunk(table_hbm, idx_all, i, h, rows_v, sem):
    r = (i * 2 + h) * G
    for g in range(G):
        pltpu.make_async_copy(
            table_hbm.at[idx_all.at[r + g]],
            rows_v.at[pl.ds(g * GROWS, GROWS)],
            sem,
        ).wait()


def _reduce_chunk(rows_v, out_v, base):

    def _node(n, carry):
        for j in range(H // L):
            sl = pl.ds(j * L, L)
            acc = rows_v[n, sl] + rows_v[C + n, sl]
            acc = acc + rows_v[2 * C + n, sl]
            acc = acc + rows_v[3 * C + n, sl]
            out_v[base + n, sl] = acc
        return carry

    lax.fori_loop(0, C, _node, 0, unroll=2)


def _sc_body(idx_hbm, table_hbm, gtok_hbm, out_hbm,
             idx_all, rows0, rows1, out_v, sem_g0, sem_g1, sem_o):
    c = lax.axis_index("c")
    s = lax.axis_index("s")
    wid = s * NC + c
    b0 = wid * B_PER_W

    pltpu.sync_copy(idx_hbm.at[pl.ds(b0 * 2 * G, B_PER_W * 2 * G)], idx_all)
    pltpu.sync_copy(gtok_hbm, out_v.at[pl.ds(0, 1)])
    _fire_chunk(table_hbm, idx_all, 0, 0, rows0, sem_g0)

    def b_loop(i, carry):
        b = b0 + i
        _fire_chunk(table_hbm, idx_all, i, 1, rows1, sem_g1)
        _drain_chunk(table_hbm, idx_all, i, 0, rows0, sem_g0)

        @pl.when(i >= 1)
        def _():
            pltpu.make_async_copy(out_v, out_hbm.at[b - 1], sem_o).wait()

        _reduce_chunk(rows0, out_v, 1)

        @pl.when(i < B_PER_W - 1)
        def _():
            _fire_chunk(table_hbm, idx_all, i + 1, 0, rows0, sem_g0)

        _drain_chunk(table_hbm, idx_all, i, 1, rows1, sem_g1)
        _reduce_chunk(rows1, out_v, 1 + C)

        pltpu.async_copy(out_v, out_hbm.at[b], sem_o)
        return carry

    lax.fori_loop(0, B_PER_W, b_loop, 0)
    pltpu.make_async_copy(out_v, out_hbm.at[b0 + B_PER_W - 1], sem_o).wait()


@jax.jit
def _sc_call(idx, atom_table, graph_token):
    mesh = plsc.VectorSubcoreMesh(
        core_axis_name="c", subcore_axis_name="s", num_cores=NC, num_subcores=NS
    )
    fn = functools.partial(
        pl.kernel,
        out_type=jax.ShapeDtypeStruct((B, 1 + N, H), jnp.float32),
        mesh=mesh,
        scratch_types=[
            pltpu.VMEM((B_PER_W * 2 * G, GROWS), jnp.int32),
            pltpu.VMEM((CR, H), jnp.float32),
            pltpu.VMEM((CR, H), jnp.float32),
            pltpu.VMEM((1 + N, H), jnp.float32),
            pltpu.SemaphoreType.DMA,
            pltpu.SemaphoreType.DMA,
            pltpu.SemaphoreType.DMA,
        ],
    )(_sc_body)
    return fn(idx, atom_table, graph_token)


def kernel(input_nodes, leaf_relationships, head_lengths, atom_table, graph_token):
    del leaf_relationships, head_lengths
    idx = jnp.transpose(input_nodes.astype(jnp.int32), (0, 2, 1))
    idx = jnp.transpose(idx.reshape(B, F, 2, C), (0, 2, 1, 3))
    idx = idx.reshape(B * 2 * G, GROWS)
    return _sc_call(idx, atom_table, graph_token)

# --- scband reference (transcript-rebuilt; emitter-appended) ---
"""Pipeline reference for scband-graph-mert-graph-node-feature-22024592294142 (READ-ONLY COPY).

The authoritative reference and input builder live on the scoring server;
editing this copy changes nothing except your own understanding.
"""

import jax, jax.numpy as jnp
import numpy as np

B, N, F, H, V = 512, 128, 4, 128, 100000

def setup_inputs(seed: int = 0) -> dict:
    key = jax.random.key(seed)
    k1, k2, k3 = jax.random.split(key, 3)
    input_nodes = jax.random.randint(k1, (B, N, F), 0, V)
    leaf_relationships = jnp.zeros((B, 112), dtype=jnp.int32)
    head_lengths = jnp.zeros((B, 16), dtype=jnp.int32)
    atom_table = jax.random.normal(k2, (V, H), dtype=jnp.float32) * 0.02
    # padding_idx=0 -> embedding row at pad_token_id is zero
    atom_table = atom_table.at[0].set(0.0)
    graph_token = jax.random.normal(k3, (1, H), dtype=jnp.float32) * 0.02
    return {
        "input_nodes": input_nodes,
        "leaf_relationships": leaf_relationships,
        "head_lengths": head_lengths,
        "atom_table": atom_table,
        "graph_token": graph_token,
    }

def reference(input_nodes, leaf_relationships, head_lengths, atom_table, graph_token):
    # atom_encoder(input_nodes): gather [B, N, F] -> [B, N, F, H]
    emb = jnp.take(atom_table, input_nodes, axis=0)
    # node_feature = atom_encoder.sum(dim=-2): [B, N, H]
    node_feature = jnp.sum(emb, axis=-2)
    # leaf_relationships is all zeros -> torch.nonzero is empty -> relation branch skipped
    n_graph = node_feature.shape[0]
    # graph_token.weight.unsqueeze(0).repeat(n_graph, 1, 1): [B, 1, H]
    graph_token_feature = jnp.broadcast_to(graph_token[None, :, :], (n_graph, 1, graph_token.shape[-1]))
    graph_node_feature = jnp.concatenate([graph_token_feature, node_feature], axis=1)
    return graph_node_feature

if __name__ == "__main__":
    import jax
    _d = setup_inputs()
    print(jax.jit(kernel)(*tuple(_d.values())))

</pallas_src>

<mosaic_0001>
#map = affine_map<(d0, d1) -> (0, 0)>
#map1 = affine_map<(d0, d1) -> (0, 0, 0)>
module attributes {stable_mosaic.version = 14 : i64} {
  func.func @_sc_body(%arg0: i32, %arg1: i32, %arg2: memref<2048x128xi32, #tpu.memory_space<hbm>>, %arg3: memref<100000x128xf32, #tpu.memory_space<hbm>>, %arg4: memref<1x128xf32, #tpu.memory_space<hbm>>, %arg5: memref<512x129x128xf32, #tpu.memory_space<hbm>>, %arg6: memref<64x128xi32, #tpu.memory_space<vmem>>, %arg7: memref<256x128xf32, #tpu.memory_space<vmem>>, %arg8: memref<256x128xf32, #tpu.memory_space<vmem>>, %arg9: memref<129x128xf32, #tpu.memory_space<vmem>>, %arg10: memref<!tpu.dma_semaphore, #tpu.memory_space<semaphore_mem>>, %arg11: memref<!tpu.dma_semaphore, #tpu.memory_space<semaphore_mem>>, %arg12: memref<!tpu.dma_semaphore, #tpu.memory_space<semaphore_mem>>) attributes {dimension_semantics = [#tpu.dimension_semantics<core_parallel>, #tpu.dimension_semantics<subcore_parallel>], iteration_bounds = array<i64: 2, 16>, scalar_prefetch = 0 : i64, scratch_operands = 7 : i64, tpu.core_type = #tpu.core_type<sc_vector_subcore>, window_params = [{transform_indices = #map}, {transform_indices = #map}, {transform_indices = #map}, {transform_indices = #map1}]} {
    %mul3A = arith.constant 2 : i32
    %mul3A_0 = arith.muli %arg1, %mul3A : i32
    %add3A = arith.addi %mul3A_0, %arg0 : i32
    %mul3A_1 = arith.constant 16 : i32
    %mul3A_2 = arith.muli %add3A, %mul3A_1 : i32
    %mul3A_3 = arith.constant 2 : i32
    %mul3A_4 = arith.muli %mul3A_2, %mul3A_3 : i32
    %mul3A_5 = arith.constant 2 : i32
    %mul3A_6 = arith.muli %mul3A_4, %mul3A_5 : i32
    "tpu.region"() ({
      %run_scoped3A = tpu.sem_alloc : memref<!tpu.dma_semaphore, #tpu.memory_space<semaphore_mem>>
      %dma_start3A_41 = arith.constant 0 : i32
      %dma_start3A_42 = tpu.memref_slice %arg2[%mul3A_6, %dma_start3A_41] : memref<2048x128xi32, #tpu.memory_space<hbm>> -> memref<64x128xi32, #tpu.memory_space<hbm>>
      %dma_start3A_43 = arith.constant 0 : i32
      %dma_start3A_44 = tpu.memref_slice %arg2[%mul3A_6, %dma_start3A_43] : memref<2048x128xi32, #tpu.memory_space<hbm>> -> memref<64x128xi32, #tpu.memory_space<hbm>>
      tpu.enqueue_dma source(%dma_start3A_44 : memref<64x128xi32, #tpu.memory_space<hbm>>) target(%arg6 : memref<64x128xi32, #tpu.memory_space<vmem>>) target_semaphore(%run_scoped3A : memref<!tpu.dma_semaphore, #tpu.memory_space<semaphore_mem>>)
      %dma_wait3A_45 = arith.constant 0 : i32
      %dma_wait3A_46 = tpu.memref_slice %arg2[%mul3A_6, %dma_wait3A_45] : memref<2048x128xi32, #tpu.memory_space<hbm>> -> memref<64x128xi32, #tpu.memory_space<hbm>>
      %dma_wait3A_47 = arith.constant 0 : i32
      %dma_wait3A_48 = tpu.memref_slice %arg2[%mul3A_6, %dma_wait3A_47] : memref<2048x128xi32, #tpu.memory_space<hbm>> -> memref<64x128xi32, #tpu.memory_space<hbm>>
      tpu.wait_dma2 semaphore(%run_scoped3A : memref<!tpu.dma_semaphore, #tpu.memory_space<semaphore_mem>>) src(%dma_wait3A_48 : memref<64x128xi32, #tpu.memory_space<hbm>>) dst(%arg6 : memref<64x128xi32, #tpu.memory_space<vmem>>)
      tpu.yield
    }) : () -> ()
    "tpu.region"() ({
      %run_scoped3A = tpu.sem_alloc : memref<!tpu.dma_semaphore, #tpu.memory_space<semaphore_mem>>
      %dma_start3A_41 = arith.constant 0 : i32
      %dma_start3A_42 = arith.constant 0 : i32
      %dma_start3A_43 = tpu.memref_slice %arg9[%dma_start3A_41, %dma_start3A_42] : memref<129x128xf32, #tpu.memory_space<vmem>> -> memref<1x128xf32, #tpu.memory_space<vmem>>
      %dma_start3A_44 = arith.constant 0 : i32
      %dma_start3A_45 = arith.constant 0 : i32
      %dma_start3A_46 = tpu.memref_slice %arg9[%dma_start3A_44, %dma_start3A_45] : memref<129x128xf32, #tpu.memory_space<vmem>> -> memref<1x128xf32, #tpu.memory_space<vmem>>
      tpu.enqueue_dma source(%arg4 : memref<1x128xf32, #tpu.memory_space<hbm>>) target(%dma_start3A_46 : memref<1x128xf32, #tpu.memory_space<vmem>>) target_semaphore(%run_scoped3A : memref<!tpu.dma_semaphore, #tpu.memory_space<semaphore_mem>>)
      %dma_wait3A_47 = arith.constant 0 : i32
      %dma_wait3A_48 = arith.constant 0 : i32
      %dma_wait3A_49 = tpu.memref_slice %arg9[%dma_wait3A_47, %dma_wait3A_48] : memref<129x128xf32, #tpu.memory_space<vmem>> -> memref<1x128xf32, #tpu.memory_space<vmem>>
      %dma_wait3A_50 = arith.constant 0 : i32
      %dma_wait3A_51 = arith.constant 0 : i32
      %dma_wait3A_52 = tpu.memref_slice %arg9[%dma_wait3A_50, %dma_wait3A_51] : memref<129x128xf32, #tpu.memory_space<vmem>> -> memref<1x128xf32, #tpu.memory_space<vmem>>
      tpu.wait_dma2 semaphore(%run_scoped3A : memref<!tpu.dma_semaphore, #tpu.memory_space<semaphore_mem>>) src(%arg4 : memref<1x128xf32, #tpu.memory_space<hbm>>) dst(%dma_wait3A_52 : memref<1x128xf32, #tpu.memory_space<vmem>>)
      tpu.yield
    }) : () -> ()
    %dma_start3A = arith.constant 0 : i32
    %dma_start3A_7 = arith.constant 0 : i32
    %dma_start3A_8 = arith.constant 0 : i32
    %dma_start3A_9 = tpu.memref_slice %arg7[%dma_start3A_7, %dma_start3A_8] : memref<256x128xf32, #tpu.memory_space<vmem>> -> memref<128x128xf32, #tpu.memory_space<vmem>>
    %dma_start3A_10 = arith.constant 0 : i32
    %dma_start3A_11 = tpu.memref_slice %arg6[%dma_start3A, %dma_start3A_10] : memref<64x128xi32, #tpu.memory_space<vmem>> -> memref<1x128xi32, #tpu.memory_space<vmem>>
    %dma_start3A_12 = tpu.memref_squeeze %dma_start3A_11 : memref<1x128xi32, #tpu.memory_space<vmem>> -> memref<128xi32, #tpu.memory_space<vmem>>
    %dma_start3A_13 = arith.constant 0 : i32
    %dma_start3A_14 = arith.constant 0 : i32
    %dma_start3A_15 = tpu.memref_slice %arg3[%dma_start3A_13, %dma_start3A_14] : memref<100000x128xf32, #tpu.memory_space<hbm>> -> memref<100000x128xf32, #tpu.memory_space<hbm>>
    tpu.enqueue_indirect_dma source(%dma_start3A_15 : memref<100000x128xf32, #tpu.memory_space<hbm>>) target(%dma_start3A_9 : memref<128x128xf32, #tpu.memory_space<vmem>>) offsets(%dma_start3A_12 : memref<128xi32, #tpu.memory_space<vmem>>) semaphore(%arg10 : memref<!tpu.dma_semaphore, #tpu.memory_space<semaphore_mem>>)
    %dma_start3A_16 = arith.constant 1 : i32
    %dma_start3A_17 = arith.constant 128 : i32
    %dma_start3A_18 = arith.constant 0 : i32
    %dma_start3A_19 = tpu.memref_slice %arg7[%dma_start3A_17, %dma_start3A_18] : memref<256x128xf32, #tpu.memory_space<vmem>> -> memref<128x128xf32, #tpu.memory_space<vmem>>
    %dma_start3A_20 = arith.constant 0 : i32
    %dma_start3A_21 = tpu.memref_slice %arg6[%dma_start3A_16, %dma_start3A_20] : memref<64x128xi32, #tpu.memory_space<vmem>> -> memref<1x128xi32, #tpu.memory_space<vmem>>
    %dma_start3A_22 = tpu.memref_squeeze %dma_start3A_21 : memref<1x128xi32, #tpu.memory_space<vmem>> -> memref<128xi32, #tpu.memory_space<vmem>>
    %dma_start3A_23 = arith.constant 0 : i32
    %dma_start3A_24 = arith.constant 0 : i32
    %dma_start3A_25 = tpu.memref_slice %arg3[%dma_start3A_23, %dma_start3A_24] : memref<100000x128xf32, #tpu.memory_space<hbm>> -> memref<100000x128xf32, #tpu.memory_space<hbm>>
    tpu.enqueue_indirect_dma source(%dma_start3A_25 : memref<100000x128xf32, #tpu.memory_space<hbm>>) target(%dma_start3A_19 : memref<128x128xf32, #tpu.memory_space<vmem>>) offsets(%dma_start3A_22 : memref<128xi32, #tpu.memory_space<vmem>>) semaphore(%arg10 : memref<!tpu.dma_semaphore, #tpu.memory_space<semaphore_mem>>)
    %scan3A = arith.constant 0 : i32
    %scan3A_26 = arith.constant 0 : i32
    %scan3A_27 = arith.constant 16 : i32
    %scan3A_28 = arith.addi %scan3A_26, %scan3A_27 : i32
    %scan3A_29 = arith.constant 1 : i32
    scf.for %scan3A_41 = %scan3A_26 to %scan3A_28 step %scan3A_29  : i32 {
      %add3A_42 = arith.addi %mul3A_2, %scan3A_41 : i32
      %mul3A_43 = arith.constant 2 : i32
      %mul3A_44 = arith.muli %scan3A_41, %mul3A_43 : i32
      %add3A_45 = arith.constant 1 : i32
      %add3A_46 = arith.addi %mul3A_44, %add3A_45 : i32
      %mul3A_47 = arith.constant 2 : i32
      %mul3A_48 = arith.muli %add3A_46, %mul3A_47 : i32
      %add3A_49 = arith.constant 0 : i32
      %add3A_50 = arith.addi %mul3A_48, %add3A_49 : i32
      %dma_start3A_51 = arith.constant 0 : i32
      %dma_start3A_52 = arith.constant 0 : i32
      %dma_start3A_53 = tpu.memref_slice %arg8[%dma_start3A_51, %dma_start3A_52] : memref<256x128xf32, #tpu.memory_space<vmem>> -> memref<128x128xf32, #tpu.memory_space<vmem>>
      %dma_start3A_54 = arith.constant 0 : i32
      %dma_start3A_55 = tpu.memref_slice %arg6[%add3A_50, %dma_start3A_54] : memref<64x128xi32, #tpu.memory_space<vmem>> -> memref<1x128xi32, #tpu.memory_space<vmem>>
      %dma_start3A_56 = tpu.memref_squeeze %dma_start3A_55 : memref<1x128xi32, #tpu.memory_space<vmem>> -> memref<128xi32, #tpu.memory_space<vmem>>
      %dma_start3A_57 = arith.constant 0 : i32
      %dma_start3A_58 = arith.constant 0 : i32
      %dma_start3A_59 = tpu.memref_slice %arg3[%dma_start3A_57, %dma_start3A_58] : memref<100000x128xf32, #tpu.memory_space<hbm>> -> memref<100000x128xf32, #tpu.memory_space<hbm>>
      tpu.enqueue_indirect_dma source(%dma_start3A_59 : memref<100000x128xf32, #tpu.memory_space<hbm>>) target(%dma_start3A_53 : memref<128x128xf32, #tpu.memory_space<vmem>>) offsets(%dma_start3A_56 : memref<128xi32, #tpu.memory_space<vmem>>) semaphore(%arg11 : memref<!tpu.dma_semaphore, #tpu.memory_space<semaphore_mem>>)
      %add3A_60 = arith.constant 1 : i32
      %add3A_61 = arith.addi %mul3A_48, %add3A_60 : i32
      %dma_start3A_62 = arith.constant 128 : i32
      %dma_start3A_63 = arith.constant 0 : i32
      %dma_start3A_64 = tpu.memref_slice %arg8[%dma_start3A_62, %dma_start3A_63] : memref<256x128xf32, #tpu.memory_space<vmem>> -> memref<128x128xf32, #tpu.memory_space<vmem>>
      %dma_start3A_65 = arith.constant 0 : i32
      %dma_start3A_66 = tpu.memref_slice %arg6[%add3A_61, %dma_start3A_65] : memref<64x128xi32, #tpu.memory_space<vmem>> -> memref<1x128xi32, #tpu.memory_space<vmem>>
      %dma_start3A_67 = tpu.memref_squeeze %dma_start3A_66 : memref<1x128xi32, #tpu.memory_space<vmem>> -> memref<128xi32, #tpu.memory_space<vmem>>
      %dma_start3A_68 = arith.constant 0 : i32
      %dma_start3A_69 = arith.constant 0 : i32
      %dma_start3A_70 = tpu.memref_slice %arg3[%dma_start3A_68, %dma_start3A_69] : memref<100000x128xf32, #tpu.memory_space<hbm>> -> memref<100000x128xf32, #tpu.memory_space<hbm>>
      tpu.enqueue_indirect_dma source(%dma_start3A_70 : memref<100000x128xf32, #tpu.memory_space<hbm>>) target(%dma_start3A_64 : memref<128x128xf32, #tpu.memory_space<vmem>>) offsets(%dma_start3A_67 : memref<128xi32, #tpu.memory_space<vmem>>) semaphore(%arg11 : memref<!tpu.dma_semaphore, #tpu.memory_space<semaphore_mem>>)
      %mul3A_71 = arith.constant 2 : i32
      %mul3A_72 = arith.muli %scan3A_41, %mul3A_71 : i32
      %add3A_73 = arith.constant 0 : i32
      %add3A_74 = arith.addi %mul3A_72, %add3A_73 : i32
      %mul3A_75 = arith.constant 2 : i32
      %mul3A_76 = arith.muli %add3A_74, %mul3A_75 : i32
      %add3A_77 = arith.constant 0 : i32
      %add3A_78 = arith.addi %mul3A_76, %add3A_77 : i32
      %dma_wait3A_79 = arith.constant 0 : i32
      %dma_wait3A_80 = arith.constant 0 : i32
      %dma_wait3A_81 = tpu.memref_slice %arg7[%dma_wait3A_79, %dma_wait3A_80] : memref<256x128xf32, #tpu.memory_space<vmem>> -> memref<128x128xf32, #tpu.memory_space<vmem>>
      %dma_wait3A_82 = arith.constant 0 : i32
      %dma_wait3A_83 = tpu.memref_slice %arg6[%add3A_78, %dma_wait3A_82] : memref<64x128xi32, #tpu.memory_space<vmem>> -> memref<1x128xi32, #tpu.memory_space<vmem>>
      %dma_wait3A_84 = tpu.memref_squeeze %dma_wait3A_83 : memref<1x128xi32, #tpu.memory_space<vmem>> -> memref<128xi32, #tpu.memory_space<vmem>>
      %dma_wait3A_85 = arith.constant 0 : i32
      %dma_wait3A_86 = arith.constant 0 : i32
      %dma_wait3A_87 = tpu.memref_slice %arg3[%dma_wait3A_85, %dma_wait3A_86] : memref<100000x128xf32, #tpu.memory_space<hbm>> -> memref<100000x128xf32, #tpu.memory_space<hbm>>
      tpu.wait_indirect_dma semaphore(%arg10 : memref<!tpu.dma_semaphore, #tpu.memory_space<semaphore_mem>>) src(%dma_wait3A_87 : memref<100000x128xf32, #tpu.memory_space<hbm>>) dst(%dma_wait3A_81 : memref<128x128xf32, #tpu.memory_space<vmem>>)
      %add3A_88 = arith.constant 1 : i32
      %add3A_89 = arith.addi %mul3A_76, %add3A_88 : i32
      %dma_wait3A_90 = arith.constant 128 : i32
      %dma_wait3A_91 = arith.constant 0 : i32
      %dma_wait3A_92 = tpu.memref_slice %arg7[%dma_wait3A_90, %dma_wait3A_91] : memref<256x128xf32, #tpu.memory_space<vmem>> -> memref<128x128xf32, #tpu.memory_space<vmem>>
      %dma_wait3A_93 = arith.constant 0 : i32
      %dma_wait3A_94 = tpu.memref_slice %arg6[%add3A_89, %dma_wait3A_93] : memref<64x128xi32, #tpu.memory_space<vmem>> -> memref<1x128xi32, #tpu.memory_space<vmem>>
      %dma_wait3A_95 = tpu.memref_squeeze %dma_wait3A_94 : memref<1x128xi32, #tpu.memory_space<vmem>> -> memref<128xi32, #tpu.memory_space<vmem>>
      %dma_wait3A_96 = arith.constant 0 : i32
      %dma_wait3A_97 = arith.constant 0 : i32
      %dma_wait3A_98 = tpu.memref_slice %arg3[%dma_wait3A_96, %dma_wait3A_97] : memref<100000x128xf32, #tpu.memory_space<hbm>> -> memref<100000x128xf32, #tpu.memory_space<hbm>>
      tpu.wait_indirect_dma semaphore(%arg10 : memref<!tpu.dma_semaphore, #tpu.memory_space<semaphore_mem>>) src(%dma_wait3A_98 : memref<100000x128xf32, #tpu.memory_space<hbm>>) dst(%dma_wait3A_92 : memref<128x128xf32, #tpu.memory_space<vmem>>)
      %ge3A = arith.constant 1 : i32
      %ge3A_99 = arith.cmpi sge, %scan3A_41, %ge3A : i32
      %convert_element_type3A = arith.extui %ge3A_99 : i1 to i32
      %cond3A = arith.constant 0 : i32
      %cond3A_100 = arith.cmpi ne, %convert_element_type3A, %cond3A : i32
      scf.if %cond3A_100 {
        %sub3A_153 = arith.constant 1 : i32
        %sub3A_154 = arith.subi %add3A_42, %sub3A_153 : i32
        %dma_wait3A_155 = arith.constant 0 : i32
        %dma_wait3A_156 = arith.constant 0 : i32
        %dma_wait3A_157 = tpu.memref_slice %arg5[%sub3A_154, %dma_wait3A_155, %dma_wait3A_156] : memref<512x129x128xf32, #tpu.memory_space<hbm>> -> memref<1x129x128xf32, #tpu.memory_space<hbm>>
        %dma_wait3A_158 = tpu.memref_squeeze %dma_wait3A_157 : memref<1x129x128xf32, #tpu.memory_space<hbm>> -> memref<129x128xf32, #tpu.memory_space<hbm>>
        %dma_wait3A_159 = arith.constant 0 : i32
        %dma_wait3A_160 = arith.constant 0 : i32
        %dma_wait3A_161 = tpu.memref_slice %arg5[%sub3A_154, %dma_wait3A_159, %dma_wait3A_160] : memref<512x129x128xf32, #tpu.memory_space<hbm>> -> memref<1x129x128xf32, #tpu.memory_space<hbm>>
        %dma_wait3A_162 = tpu.memref_squeeze %dma_wait3A_161 : memref<1x129x128xf32, #tpu.memory_space<hbm>> -> memref<129x128xf32, #tpu.memory_space<hbm>>
        tpu.wait_dma2 semaphore(%arg12 : memref<!tpu.dma_semaphore, #tpu.memory_space<semaphore_mem>>) src(%arg9 : memref<129x128xf32, #tpu.memory_space<vmem>>) dst(%dma_wait3A_162 : memref<129x128xf32, #tpu.memory_space<hbm>>)
      } else {
      }
      %scan3A_101 = arith.constant 0 : i32
      %scan3A_102 = arith.constant 0 : i32
      %scan3A_103 = arith.constant 64 : i32
      %scan3A_104 = arith.addi %scan3A_102, %scan3A_103 : i32
      %scan3A_105 = arith.constant 2 : i32
      scf.for %scan3A_153 = %scan3A_102 to %scan3A_104 step %scan3A_105  : i32 {
        %get3A = arith.index_cast %scan3A_153 : i32 to index
        %get3A_154 = arith.constant 0 : index
        %get3A_155 = tpu.vector_load %arg7[%get3A, %get3A_154] {strides = array<i32>} : memref<256x128xf32, #tpu.memory_space<vmem>>, vector<1x16xf32>,
        %get3A_156 = vector.shape_cast %get3A_155 : vector<1x16xf32> to vector<16xf32>
        %add3A_157 = arith.constant 64 : i32
        %add3A_158 = arith.addi %add3A_157, %scan3A_153 : i32
        %get3A_159 = arith.index_cast %add3A_158 : i32 to index
        %get3A_160 = arith.constant 0 : index
        %get3A_161 = tpu.vector_load %arg7[%get3A_159, %get3A_160] {strides = array<i32>} : memref<256x128xf32, #tpu.memory_space<vmem>>, vector<1x16xf32>,
        %get3A_162 = vector.shape_cast %get3A_161 : vector<1x16xf32> to vector<16xf32>
        %add3A_163 = arith.addf %get3A_156, %get3A_162 : vector<16xf32>
        %add3A_164 = arith.constant 128 : i32
        %add3A_165 = arith.addi %add3A_164, %scan3A_153 : i32
        %get3A_166 = arith.index_cast %add3A_165 : i32 to index
        %get3A_167 = arith.constant 0 : index
        %get3A_168 = tpu.vector_load %arg7[%get3A_166, %get3A_167] {strides = array<i32>} : memref<256x128xf32, #tpu.memory_space<vmem>>, vector<1x16xf32>,
        %get3A_169 = vector.shape_cast %get3A_168 : vector<1x16xf32> to vector<16xf32>
        %add3A_170 = arith.addf %add3A_163, %get3A_169 : vector<16xf32>
        %add3A_171 = arith.constant 192 : i32
        %add3A_172 = arith.addi %add3A_171, %scan3A_153 : i32
        %get3A_173 = arith.index_cast %add3A_172 : i32 to index
        %get3A_174 = arith.constant 0 : index
        %get3A_175 = tpu.vector_load %arg7[%get3A_173, %get3A_174] {strides = array<i32>} : memref<256x128xf32, #tpu.memory_space<vmem>>, vector<1x16xf32>,
        %get3A_176 = vector.shape_cast %get3A_175 : vector<1x16xf32> to vector<16xf32>
        %add3A_177 = arith.addf %add3A_170, %get3A_176 : vector<16xf32>
        %add3A_178 = arith.constant 1 : i32
        %add3A_179 = arith.addi %add3A_178, %scan3A_153 : i32
        %swap3A = arith.index_cast %add3A_179 : i32 to index
        %swap3A_180 = arith.constant 0 : index
        %swap3A_181 = tpu.vector_load %arg9[%swap3A, %swap3A_180] {strides = array<i32>} : memref<129x128xf32, #tpu.memory_space<vmem>>, vector<1x16xf32>,
        %swap3A_182 = vector.shape_cast %swap3A_181 : vector<1x16xf32> to vector<16xf32>
        %swap3A_183 = vector.shape_cast %add3A_177 : vector<16xf32> to vector<1x16xf32>
        tpu.vector_store %arg9[%swap3A, %swap3A_180], %swap3A_183 {strides = array<i32>} : memref<129x128xf32, #tpu.memory_space<vmem>>, vector<1x16xf32>,
        %get3A_184 = arith.index_cast %scan3A_153 : i32 to index
        %get3A_185 = arith.constant 16 : index
        %get3A_186 = tpu.vector_load %arg7[%get3A_184, %get3A_185] {strides = array<i32>} : memref<256x128xf32, #tpu.memory_space<vmem>>, vector<1x16xf32>,
        %get3A_187 = vector.shape_cast %get3A_186 : vector<1x16xf32> to vector<16xf32>
        %add3A_188 = arith.constant 64 : i32
        %add3A_189 = arith.addi %add3A_188, %scan3A_153 : i32
        %get3A_190 = arith.index_cast %add3A_189 : i32 to index
        %get3A_191 = arith.constant 16 : index
        %get3A_192 = tpu.vector_load %arg7[%get3A_190, %get3A_191] {strides = array<i32>} : memref<256x128xf32, #tpu.memory_space<vmem>>, vector<1x16xf32>,
        %get3A_193 = vector.shape_cast %get3A_192 : vector<1x16xf32> to vector<16xf32>
        %add3A_194 = arith.addf %get3A_187, %get3A_193 : vector<16xf32>
        %add3A_195 = arith.constant 128 : i32
        %add3A_196 = arith.addi %add3A_195, %scan3A_153 : i32
        %get3A_197 = arith.index_cast %add3A_196 : i32 to index
        %get3A_198 = arith.constant 16 : index
        %get3A_199 = tpu.vector_load %arg7[%get3A_197, %get3A_198] {strides = array<i32>} : memref<256x128xf32, #tpu.memory_space<vmem>>, vector<1x16xf32>,
        %get3A_200 = vector.shape_cast %get3A_199 : vector<1x16xf32> to vector<16xf32>
        %add3A_201 = arith.addf %add3A_194, %get3A_200 : vector<16xf32>
        %add3A_202 = arith.constant 192 : i32
        %add3A_203 = arith.addi %add3A_202, %scan3A_153 : i32
        %get3A_204 = arith.index_cast %add3A_203 : i32 to index
        %get3A_205 = arith.constant 16 : index
        %get3A_206 = tpu.vector_load %arg7[%get3A_204, %get3A_205] {strides = array<i32>} : memref<256x128xf32, #tpu.memory_space<vmem>>, vector<1x16xf32>,
        %get3A_207 = vector.shape_cast %get3A_206 : vector<1x16xf32> to vector<16xf32>
        %add3A_208 = arith.addf %add3A_201, %get3A_207 : vector<16xf32>
        %add3A_209 = arith.constant 1 : i32
        %add3A_210 = arith.addi %add3A_209, %scan3A_153 : i32
        %swap3A_211 = arith.index_cast %add3A_210 : i32 to index
        %swap3A_212 = arith.constant 16 : index
        %swap3A_213 = tpu.vector_load %arg9[%swap3A_211, %swap3A_212] {strides = array<i32>} : memref<129x128xf32, #tpu.memory_space<vmem>>, vector<1x16xf32>,
        %swap3A_214 = vector.shape_cast %swap3A_213 : vector<1x16xf32> to vector<16xf32>
        %swap3A_215 = vector.shape_cast %add3A_208 : vector<16xf32> to vector<1x16xf32>
        tpu.vector_store %arg9[%swap3A_211, %swap3A_212], %swap3A_215 {strides = array<i32>} : memref<129x128xf32, #tpu.memory_space<vmem>>, vector<1x16xf32>,
        %get3A_216 = arith.index_cast %scan3A_153 : i32 to index
        %get3A_217 = arith.constant 32 : index
        %get3A_218 = tpu.vector_load %arg7[%get3A_216, %get3A_217] {strides = array<i32>} : memref<256x128xf32, #tpu.memory_space<vmem>>, vector<1x16xf32>,
        %get3A_219 = vector.shape_cast %get3A_218 : vector<1x16xf32> to vector<16xf32>
        %add3A_220 = arith.constant 64 : i32
        %add3A_221 = arith.addi %add3A_220, %scan3A_153 : i32
        %get3A_222 = arith.index_cast %add3A_221 : i32 to index
        %get3A_223 = arith.constant 32 : index
        %get3A_224 = tpu.vector_load %arg7[%get3A_222, %get3A_223] {strides = array<i32>} : memref<256x128xf32, #tpu.memory_space<vmem>>, vector<1x16xf32>,
        %get3A_225 = vector.shape_cast %get3A_224 : vector<1x16xf32> to vector<16xf32>
        %add3A_226 = arith.addf %get3A_219, %get3A_225 : vector<16xf32>
        %add3A_227 = arith.constant 128 : i32
        %add3A_228 = arith.addi %add3A_227, %scan3A_153 : i32
        %get3A_229 = arith.index_cast %add3A_228 : i32 to index
        %get3A_230 = arith.constant 32 : index
        %get3A_231 = tpu.vector_load %arg7[%get3A_229, %get3A_230] {strides = array<i32>} : memref<256x128xf32, #tpu.memory_space<vmem>>, vector<1x16xf32>,
        %get3A_232 = vector.shape_cast %get3A_231 : vector<1x16xf32> to vector<16xf32>
        %add3A_233 = arith.addf %add3A_226, %get3A_232 : vector<16xf32>
        %add3A_234 = arith.constant 192 : i32
        %add3A_235 = arith.addi %add3A_234, %scan3A_153 : i32
        %get3A_236 = arith.index_cast %add3A_235 : i32 to index
        %get3A_237 = arith.constant 32 : index
        %get3A_238 = tpu.vector_load %arg7[%get3A_236, %get3A_237] {strides = array<i32>} : memref<256x128xf32, #tpu.memory_space<vmem>>, vector<1x16xf32>,
        %get3A_239 = vector.shape_cast %get3A_238 : vector<1x16xf32> to vector<16xf32>
        %add3A_240 = arith.addf %add3A_233, %get3A_239 : vector<16xf32>
        %add3A_241 = arith.constant 1 : i32
        %add3A_242 = arith.addi %add3A_241, %scan3A_153 : i32
        %swap3A_243 = arith.index_cast %add3A_242 : i32 to index
        %swap3A_244 = arith.constant 32 : index
        %swap3A_245 = tpu.vector_load %arg9[%swap3A_243, %swap3A_244] {strides = array<i32>} : memref<129x128xf32, #tpu.memory_space<vmem>>, vector<1x16xf32>,
        %swap3A_246 = vector.shape_cast %swap3A_245 : vector<1x16xf32> to vector<16xf32>
        %swap3A_247 = vector.shape_cast %add3A_240 : vector<16xf32> to vector<1x16xf32>
        tpu.vector_store %arg9[%swap3A_243, %swap3A_244], %swap3A_247 {strides = array<i32>} : memref<129x128xf32, #tpu.memory_space<vmem>>, vector<1x16xf32>,
        %get3A_248 = arith.index_cast %scan3A_153 : i32 to index
        %get3A_249 = arith.constant 48 : index
        %get3A_250 = tpu.vector_load %arg7[%get3A_248, %get3A_249] {strides = array<i32>} : memref<256x128xf32, #tpu.memory_space<vmem>>, vector<1x16xf32>,
        %get3A_251 = vector.shape_cast %get3A_250 : vector<1x16xf32> to vector<16xf32>
        %add3A_252 = arith.constant 64 : i32
        %add3A_253 = arith.addi %add3A_252, %scan3A_153 : i32
        %get3A_254 = arith.index_cast %add3A_253 : i32 to index
        %get3A_255 = arith.constant 48 : index
        %get3A_256 = tpu.vector_load %arg7[%get3A_254, %get3A_255] {strides = array<i32>} : memref<256x128xf32, #tpu.memory_space<vmem>>, vector<1x16xf32>,
        %get3A_257 = vector.shape_cast %get3A_256 : vector<1x16xf32> to vector<16xf32>
        %add3A_258 = arith.addf %get3A_251, %get3A_257 : vector<16xf32>
        %add3A_259 = arith.constant 128 : i32
        %add3A_260 = arith.addi %add3A_259, %scan3A_153 : i32
        %get3A_261 = arith.index_cast %add3A_260 : i32 to index
        %get3A_262 = arith.constant 48 : index
        %get3A_263 = tpu.vector_load %arg7[%get3A_261, %get3A_262] {strides = array<i32>} : memref<256x128xf32, #tpu.memory_space<vmem>>, vector<1x16xf32>,
        %get3A_264 = vector.shape_cast %get3A_263 : vector<1x16xf32> to vector<16xf32>
        %add3A_265 = arith.addf %add3A_258, %get3A_264 : vector<16xf32>
        %add3A_266 = arith.constant 192 : i32
        %add3A_267 = arith.addi %add3A_266, %scan3A_153 : i32
        %get3A_268 = arith.index_cast %add3A_267 : i32 to index
        %get3A_269 = arith.constant 48 : index
        %get3A_270 = tpu.vector_load %arg7[%get3A_268, %get3A_269] {strides = array<i32>} : memref<256x128xf32, #tpu.memory_space<vmem>>, vector<1x16xf32>,
        %get3A_271 = vector.shape_cast %get3A_270 : vector<1x16xf32> to vector<16xf32>
        %add3A_272 = arith.addf %add3A_265, %get3A_271 : vector<16xf32>
        %add3A_273 = arith.constant 1 : i32
        %add3A_274 = arith.addi %add3A_273, %scan3A_153 : i32
        %swap3A_275 = arith.index_cast %add3A_274 : i32 to index
        %swap3A_276 = arith.constant 48 : index
        %swap3A_277 = tpu.vector_load %arg9[%swap3A_275, %swap3A_276] {strides = array<i32>} : memref<129x128xf32, #tpu.memory_space<vmem>>, vector<1x16xf32>,
        %swap3A_278 = vector.shape_cast %swap3A_277 : vector<1x16xf32> to vector<16xf32>
        %swap3A_279 = vector.shape_cast %add3A_272 : vector<16xf32> to vector<1x16xf32>
        tpu.vector_store %arg9[%swap3A_275, %swap3A_276], %swap3A_279 {strides = array<i32>} : memref<129x128xf32, #tpu.memory_space<vmem>>, vector<1x16xf32>,
        %get3A_280 = arith.index_cast %scan3A_153 : i32 to index
        %get3A_281 = arith.constant 64 : index
        %get3A_282 = tpu.vector_load %arg7[%get3A_280, %get3A_281] {strides = array<i32>} : memref<256x128xf32, #tpu.memory_space<vmem>>, vector<1x16xf32>,
        %get3A_283 = vector.shape_cast %get3A_282 : vector<1x16xf32> to vector<16xf32>
        %add3A_284 = arith.constant 64 : i32
        %add3A_285 = arith.addi %add3A_284, %scan3A_153 : i32
        %get3A_286 = arith.index_cast %add3A_285 : i32 to index
        %get3A_287 = arith.constant 64 : index
        %get3A_288 = tpu.vector_load %arg7[%get3A_286, %get3A_287] {strides = array<i32>} : memref<256x128xf32, #tpu.memory_space<vmem>>, vector<1x16xf32>,
        %get3A_289 = vector.shape_cast %get3A_288 : vector<1x16xf32> to vector<16xf32>
        %add3A_290 = arith.addf %get3A_283, %get3A_289 : vector<16xf32>
        %add3A_291 = arith.constant 128 : i32
        %add3A_292 = arith.addi %add3A_291, %scan3A_153 : i32
        %get3A_293 = arith.index_cast %add3A_292 : i32 to index
        %get3A_294 = arith.constant 64 : index
        %get3A_295 = tpu.vector_load %arg7[%get3A_293, %get3A_294] {strides = array<i32>} : memref<256x128xf32, #tpu.memory_space<vmem>>, vector<1x16xf32>,
        %get3A_296 = vector.shape_cast %get3A_295 : vector<1x16xf32> to vector<16xf32>
        %add3A_297 = arith.addf %add3A_290, %get3A_296 : vector<16xf32>
        %add3A_298 = arith.constant 192 : i32
        %add3A_299 = arith.addi %add3A_298, %scan3A_153 : i32
        %get3A_300 = arith.index_cast %add3A_299 : i32 to index
        %get3A_301 = arith.constant 64 : index
        %get3A_302 = tpu.vector_load %arg7[%get3A_300, %get3A_301] {strides = array<i32>} : memref<256x128xf32, #tpu.memory_space<vmem>>, vector<1x16xf32>,
        %get3A_303 = vector.shape_cast %get3A_302 : vector<1x16xf32> to vector<16xf32>
        %add3A_304 = arith.addf %add3A_297, %get3A_303 : vector<16xf32>
        %add3A_305 = arith.constant 1 : i32
        %add3A_306 = arith.addi %add3A_305, %scan3A_153 : i32
        %swap3A_307 = arith.index_cast %add3A_306 : i32 to index
        %swap3A_308 = arith.constant 64 : index
        %swap3A_309 = tpu.vector_load %arg9[%swap3A_307, %swap3A_308] {strides = array<i32>} : memref<129x128xf32, #tpu.memory_space<vmem>>, vector<1x16xf32>,
        %swap3A_310 = vector.shape_cast %swap3A_309 : vector<1x16xf32> to vector<16xf32>
        %swap3A_311 = vector.shape_cast %add3A_304 : vector<16xf32> to vector<1x16xf32>
        tpu.vector_store %arg9[%swap3A_307, %swap3A_308], %swap3A_311 {strides = array<i32>} : memref<129x128xf32, #tpu.memory_space<vmem>>, vector<1x16xf32>,
        %get3A_312 = arith.index_cast %scan3A_153 : i32 to index
        %get3A_313 = arith.constant 80 : index
        %get3A_314 = tpu.vector_load %arg7[%get3A_312, %get3A_313] {strides = array<i32>} : memref<256x128xf32, #tpu.memory_space<vmem>>, vector<1x16xf32>,
        %get3A_315 = vector.shape_cast %get3A_314 : vector<1x16xf32> to vector<16xf32>
        %add3A_316 = arith.constant 64 : i32
        %add3A_317 = arith.addi %add3A_316, %scan3A_153 : i32
        %get3A_318 = arith.index_cast %add3A_317 : i32 to index
        %get3A_319 = arith.constant 80 : index
        %get3A_320 = tpu.vector_load %arg7[%get3A_318, %get3A_319] {strides = array<i32>} : memref<256x128xf32, #tpu.memory_space<vmem>>, vector<1x16xf32>,
        %get3A_321 = vector.shape_cast %get3A_320 : vector<1x16xf32> to vector<16xf32>
        %add3A_322 = arith.addf %get3A_315, %get3A_321 : vector<16xf32>
        %add3A_323 = arith.constant 128 : i32
        %add3A_324 = arith.addi %add3A_323, %scan3A_153 : i32
        %get3A_325 = arith.index_cast %add3A_324 : i32 to index
        %get3A_326 = arith.constant 80 : index
        %get3A_327 = tpu.vector_load %arg7[%get3A_325, %get3A_326] {strides = array<i32>} : memref<256x128xf32, #tpu.memory_space<vmem>>, vector<1x16xf32>,
        %get3A_328 = vector.shape_cast %get3A_327 : vector<1x16xf32> to vector<16xf32>
        %add3A_329 = arith.addf %add3A_322, %get3A_328 : vector<16xf32>
        %add3A_330 = arith.constant 192 : i32
        %add3A_331 = arith.addi %add3A_330, %scan3A_153 : i32
        %get3A_332 = arith.index_cast %add3A_331 : i32 to index
        %get3A_333 = arith.constant 80 : index
        %get3A_334 = tpu.vector_load %arg7[%get3A_332, %get3A_333] {strides = array<i32>} : memref<256x128xf32, #tpu.memory_space<vmem>>, vector<1x16xf32>,
        %get3A_335 = vector.shape_cast %get3A_334 : vector<1x16xf32> to vector<16xf32>
        %add3A_336 = arith.addf %add3A_329, %get3A_335 : vector<16xf32>
        %add3A_337 = arith.constant 1 : i32
        %add3A_338 = arith.addi %add3A_337, %scan3A_153 : i32
        %swap3A_339 = arith.index_cast %add3A_338 : i32 to index
        %swap3A_340 = arith.constant 80 : index
        %swap3A_341 = tpu.vector_load %arg9[%swap3A_339, %swap3A_340] {strides = array<i32>} : memref<129x128xf32, #tpu.memory_space<vmem>>, vector<1x16xf32>,
        %swap3A_342 = vector.shape_cast %swap3A_341 : vector<1x16xf32> to vector<16xf32>
        %swap3A_343 = vector.shape_cast %add3A_336 : vector<16xf32> to vector<1x16xf32>
        tpu.vector_store %arg9[%swap3A_339, %swap3A_340], %swap3A_343 {strides = array<i32>} : memref<129x128xf32, #tpu.memory_space<vmem>>, vector<1x16xf32>,
        %get3A_344 = arith.index_cast %scan3A_153 : i32 to index
        %get3A_345 = arith.constant 96 : index
        %get3A_346 = tpu.vector_load %arg7[%get3A_344, %get3A_345] {strides = array<i32>} : memref<256x128xf32, #tpu.memory_space<vmem>>, vector<1x16xf32>,
        %get3A_347 = vector.shape_cast %get3A_346 : vector<1x16xf32> to vector<16xf32>
        %add3A_348 = arith.constant 64 : i32
        %add3A_349 = arith.addi %add3A_348, %scan3A_153 : i32
        %get3A_350 = arith.index_cast %add3A_349 : i32 to index
        %get3A_351 = arith.constant 96 : index
        %get3A_352 = tpu.vector_load %arg7[%get3A_350, %get3A_351] {strides = array<i32>} : memref<256x128xf32, #tpu.memory_space<vmem>>, vector<1x16xf32>,
        %get3A_353 = vector.shape_cast %get3A_352 : vector<1x16xf32> to vector<16xf32>
        %add3A_354 = arith.addf %get3A_347, %get3A_353 : vector<16xf32>
        %add3A_355 = arith.constant 128 : i32
        %add3A_356 = arith.addi %add3A_355, %scan3A_153 : i32
        %get3A_357 = arith.index_cast %add3A_356 : i32 to index
        %get3A_358 = arith.constant 96 : index
        %get3A_359 = tpu.vector_load %arg7[%get3A_357, %get3A_358] {strides = array<i32>} : memref<256x128xf32, #tpu.memory_space<vmem>>, vector<1x16xf32>,
        %get3A_360 = vector.shape_cast %get3A_359 : vector<1x16xf32> to vector<16xf32>
        %add3A_361 = arith.addf %add3A_354, %get3A_360 : vector<16xf32>
        %add3A_362 = arith.constant 192 : i32
        %add3A_363 = arith.addi %add3A_362, %scan3A_153 : i32
        %get3A_364 = arith.index_cast %add3A_363 : i32 to index
        %get3A_365 = arith.constant 96 : index
        %get3A_366 = tpu.vector_load %arg7[%get3A_364, %get3A_365] {strides = array<i32>} : memref<256x128xf32, #tpu.memory_space<vmem>>, vector<1x16xf32>,
        %get3A_367 = vector.shape_cast %get3A_366 : vector<1x16xf32> to vector<16xf32>
        %add3A_368 = arith.addf %add3A_361, %get3A_367 : vector<16xf32>
        %add3A_369 = arith.constant 1 : i32
        %add3A_370 = arith.addi %add3A_369, %scan3A_153 : i32
        %swap3A_371 = arith.index_cast %add3A_370 : i32 to index
        %swap3A_372 = arith.constant 96 : index
        %swap3A_373 = tpu.vector_load %arg9[%swap3A_371, %swap3A_372] {strides = array<i32>} : memref<129x128xf32, #tpu.memory_space<vmem>>, vector<1x16xf32>,
        %swap3A_374 = vector.shape_cast %swap3A_373 : vector<1x16xf32> to vector<16xf32>
        %swap3A_375 = vector.shape_cast %add3A_368 : vector<16xf32> to vector<1x16xf32>
        tpu.vector_store %arg9[%swap3A_371, %swap3A_372], %swap3A_375 {strides = array<i32>} : memref<129x128xf32, #tpu.memory_space<vmem>>, vector<1x16xf32>,
        %get3A_376 = arith.index_cast %scan3A_153 : i32 to index
        %get3A_377 = arith.constant 112 : index
        %get3A_378 = tpu.vector_load %arg7[%get3A_376, %get3A_377] {strides = array<i32>} : memref<256x128xf32, #tpu.memory_space<vmem>>, vector<1x16xf32>,
        %get3A_379 = vector.shape_cast %get3A_378 : vector<1x16xf32> to vector<16xf32>
        %add3A_380 = arith.constant 64 : i32
        %add3A_381 = arith.addi %add3A_380, %scan3A_153 : i32
        %get3A_382 = arith.index_cast %add3A_381 : i32 to index
        %get3A_383 = arith.constant 112 : index
        %get3A_384 = tpu.vector_load %arg7[%get3A_382, %get3A_383] {strides = array<i32>} : memref<256x128xf32, #tpu.memory_space<vmem>>, vector<1x16xf32>,
        %get3A_385 = vector.shape_cast %get3A_384 : vector<1x16xf32> to vector<16xf32>
        %add3A_386 = arith.addf %get3A_379, %get3A_385 : vector<16xf32>
        %add3A_387 = arith.constant 128 : i32
        %add3A_388 = arith.addi %add3A_387, %scan3A_153 : i32
        %get3A_389 = arith.index_cast %add3A_388 : i32 to index
        %get3A_390 = arith.constant 112 : index
        %get3A_391 = tpu.vector_load %arg7[%get3A_389, %get3A_390] {strides = array<i32>} : memref<256x128xf32, #tpu.memory_space<vmem>>, vector<1x16xf32>,
        %get3A_392 = vector.shape_cast %get3A_391 : vector<1x16xf32> to vector<16xf32>
        %add3A_393 = arith.addf %add3A_386, %get3A_392 : vector<16xf32>
        %add3A_394 = arith.constant 192 : i32
        %add3A_395 = arith.addi %add3A_394, %scan3A_153 : i32
        %get3A_396 = arith.index_cast %add3A_395 : i32 to index
        %get3A_397 = arith.constant 112 : index
        %get3A_398 = tpu.vector_load %arg7[%get3A_396, %get3A_397] {strides = array<i32>} : memref<256x128xf32, #tpu.memory_space<vmem>>, vector<1x16xf32>,
        %get3A_399 = vector.shape_cast %get3A_398 : vector<1x16xf32> to vector<16xf32>
        %add3A_400 = arith.addf %add3A_393, %get3A_399 : vector<16xf32>
        %add3A_401 = arith.constant 1 : i32
        %add3A_402 = arith.addi %add3A_401, %scan3A_153 : i32
        %swap3A_403 = arith.index_cast %add3A_402 : i32 to index
        %swap3A_404 = arith.constant 112 : index
        %swap3A_405 = tpu.vector_load %arg9[%swap3A_403, %swap3A_404] {strides = array<i32>} : memref<129x128xf32, #tpu.memory_space<vmem>>, vector<1x16xf32>,
        %swap3A_406 = vector.shape_cast %swap3A_405 : vector<1x16xf32> to vector<16xf32>
        %swap3A_407 = vector.shape_cast %add3A_400 : vector<16xf32> to vector<1x16xf32>
        tpu.vector_store %arg9[%swap3A_403, %swap3A_404], %swap3A_407 {strides = array<i32>} : memref<129x128xf32, #tpu.memory_space<vmem>>, vector<1x16xf32>,
        %scan3A_408 = arith.constant 1 : i32
        %scan3A_409 = arith.addi %scan3A_153, %scan3A_408 : i32
        %get3A_410 = arith.index_cast %scan3A_409 : i32 to index
        %get3A_411 = arith.constant 0 : index
        %get3A_412 = tpu.vector_load %arg7[%get3A_410, %get3A_411] {strides = array<i32>} : memref<256x128xf32, #tpu.memory_space<vmem>>, vector<1x16xf32>,
        %get3A_413 = vector.shape_cast %get3A_412 : vector<1x16xf32> to vector<16xf32>
        %add3A_414 = arith.constant 64 : i32
        %add3A_415 = arith.addi %add3A_414, %scan3A_409 : i32
        %get3A_416 = arith.index_cast %add3A_415 : i32 to index
        %get3A_417 = arith.constant 0 : index
        %get3A_418 = tpu.vector_load %arg7[%get3A_416, %get3A_417] {strides = array<i32>} : memref<256x128xf32, #tpu.memory_space<vmem>>, vector<1x16xf32>,
        %get3A_419 = vector.shape_cast %get3A_418 : vector<1x16xf32> to vector<16xf32>
        %add3A_420 = arith.addf %get3A_413, %get3A_419 : vector<16xf32>
        %add3A_421 = arith.constant 128 : i32
        %add3A_422 = arith.addi %add3A_421, %scan3A_409 : i32
        %get3A_423 = arith.index_cast %add3A_422 : i32 to index
        %get3A_424 = arith.constant 0 : index
        %get3A_425 = tpu.vector_load %arg7[%get3A_423, %get3A_424] {strides = array<i32>} : memref<256x128xf32, #tpu.memory_space<vmem>>, vector<1x16xf32>,
        %get3A_426 = vector.shape_cast %get3A_425 : vector<1x16xf32> to vector<16xf32>
        %add3A_427 = arith.addf %add3A_420, %get3A_426 : vector<16xf32>
        %add3A_428 = arith.constant 192 : i32
        %add3A_429 = arith.addi %add3A_428, %scan3A_409 : i32
        %get3A_430 = arith.index_cast %add3A_429 : i32 to index
        %get3A_431 = arith.constant 0 : index
        %get3A_432 = tpu.vector_load %arg7[%get3A_430, %get3A_431] {strides = array<i32>} : memref<256x128xf32, #tpu.memory_space<vmem>>, vector<1x16xf32>,
        %get3A_433 = vector.shape_cast %get3A_432 : vector<1x16xf32> to vector<16xf32>
        %add3A_434 = arith.addf %add3A_427, %get3A_433 : vector<16xf32>
        %add3A_435 = arith.constant 1 : i32
        %add3A_436 = arith.addi %add3A_435, %scan3A_409 : i32
        %swap3A_437 = arith.index_cast %add3A_436 : i32 to index
        %swap3A_438 = arith.constant 0 : index
        %swap3A_439 = tpu.vector_load %arg9[%swap3A_437, %swap3A_438] {strides = array<i32>} : memref<129x128xf32, #tpu.memory_space<vmem>>, vector<1x16xf32>,
        %swap3A_440 = vector.shape_cast %swap3A_439 : vector<1x16xf32> to vector<16xf32>
        %swap3A_441 = vector.shape_cast %add3A_434 : vector<16xf32> to vector<1x16xf32>
        tpu.vector_store %arg9[%swap3A_437, %swap3A_438], %swap3A_441 {strides = array<i32>} : memref<129x128xf32, #tpu.memory_space<vmem>>, vector<1x16xf32>,
        %get3A_442 = arith.index_cast %scan3A_409 : i32 to index
        %get3A_443 = arith.constant 16 : index
        %get3A_444 = tpu.vector_load %arg7[%get3A_442, %get3A_443] {strides = array<i32>} : memref<256x128xf32, #tpu.memory_space<vmem>>, vector<1x16xf32>,
        %get3A_445 = vector.shape_cast %get3A_444 : vector<1x16xf32> to vector<16xf32>
        %add3A_446 = arith.constant 64 : i32
        %add3A_447 = arith.addi %add3A_446, %scan3A_409 : i32
        %get3A_448 = arith.index_cast %add3A_447 : i32 to index
        %get3A_449 = arith.constant 16 : index
        %get3A_450 = tpu.vector_load %arg7[%get3A_448, %get3A_449] {strides = array<i32>} : memref<256x128xf32, #tpu.memory_space<vmem>>, vector<1x16xf32>,
        %get3A_451 = vector.shape_cast %get3A_450 : vector<1x16xf32> to vector<16xf32>
        %add3A_452 = arith.addf %get3A_445, %get3A_451 : vector<16xf32>
        %add3A_453 = arith.constant 128 : i32
        %add3A_454 = arith.addi %add3A_453, %scan3A_409 : i32
        %get3A_455 = arith.index_cast %add3A_454 : i32 to index
        %get3A_456 = arith.constant 16 : index
        %get3A_457 = tpu.vector_load %arg7[%get3A_455, %get3A_456] {strides = array<i32>} : memref<256x128xf32, #tpu.memory_space<vmem>>, vector<1x16xf32>,
        %get3A_458 = vector.shape_cast %get3A_457 : vector<1x16xf32> to vector<16xf32>
        %add3A_459 = arith.addf %add3A_452, %get3A_458 : vector<16xf32>
        %add3A_460 = arith.constant 192 : i32
        %add3A_461 = arith.addi %add3A_460, %scan3A_409 : i32
        %get3A_462 = arith.index_cast %add3A_461 : i32 to index
        %get3A_463 = arith.constant 16 : index
        %get3A_464 = tpu.vector_load %arg7[%get3A_462, %get3A_463] {strides = array<i32>} : memref<256x128xf32, #tpu.memory_space<vmem>>, vector<1x16xf32>,
        %get3A_465 = vector.shape_cast %get3A_464 : vector<1x16xf32> to vector<16xf32>
        %add3A_466 = arith.addf %add3A_459, %get3A_465 : vector<16xf32>
        %add3A_467 = arith.constant 1 : i32
        %add3A_468 = arith.addi %add3A_467, %scan3A_409 : i32
        %swap3A_469 = arith.index_cast %add3A_468 : i32 to index
        %swap3A_470 = arith.constant 16 : index
        %swap3A_471 = tpu.vector_load %arg9[%swap3A_469, %swap3A_470] {strides = array<i32>} : memref<129x128xf32, #tpu.memory_space<vmem>>, vector<1x16xf32>,
        %swap3A_472 = vector.shape_cast %swap3A_471 : vector<1x16xf32> to vector<16xf32>
        %swap3A_473 = vector.shape_cast %add3A_466 : vector<16xf32> to vector<1x16xf32>
        tpu.vector_store %arg9[%swap3A_469, %swap3A_470], %swap3A_473 {strides = array<i32>} : memref<129x128xf32, #tpu.memory_space<vmem>>, vector<1x16xf32>,
        %get3A_474 = arith.index_cast %scan3A_409 : i32 to index
        %get3A_475 = arith.constant 32 : index
        %get3A_476 = tpu.vector_load %arg7[%get3A_474, %get3A_475] {strides = array<i32>} : memref<256x128xf32, #tpu.memory_space<vmem>>, vector<1x16xf32>,
        %get3A_477 = vector.shape_cast %get3A_476 : vector<1x16xf32> to vector<16xf32>
        %add3A_478 = arith.constant 64 : i32
        %add3A_479 = arith.addi %add3A_478, %scan3A_409 : i32
        %get3A_480 = arith.index_cast %add3A_479 : i32 to index
        %get3A_481 = arith.constant 32 : index
        %get3A_482 = tpu.vector_load %arg7[%get3A_480, %get3A_481] {strides = array<i32>} : memref<256x128xf32, #tpu.memory_space<vmem>>, vector<1x16xf32>,
        %get3A_483 = vector.shape_cast %get3A_482 : vector<1x16xf32> to vector<16xf32>
        %add3A_484 = arith.addf %get3A_477, %get3A_483 : vector<16xf32>
        %add3A_485 = arith.constant 128 : i32
        %add3A_486 = arith.addi %add3A_485, %scan3A_409 : i32
        %get3A_487 = arith.index_cast %add3A_486 : i32 to index
        %get3A_488 = arith.constant 32 : index
        %get3A_489 = tpu.vector_load %arg7[%get3A_487, %get3A_488] {strides = array<i32>} : memref<256x128xf32, #tpu.memory_space<vmem>>, vector<1x16xf32>,
        %get3A_490 = vector.shape_cast %get3A_489 : vector<1x16xf32> to vector<16xf32>
        %add3A_491 = arith.addf %add3A_484, %get3A_490 : vector<16xf32>
        %add3A_492 = arith.constant 192 : i32
        %add3A_493 = arith.addi %add3A_492, %scan3A_409 : i32
        %get3A_494 = arith.index_cast %add3A_493 : i32 to index
        %get3A_495 = arith.constant 32 : index
        %get3A_496 = tpu.vector_load %arg7[%get3A_494, %get3A_495] {strides = array<i32>} : memref<256x128xf32, #tpu.memory_space<vmem>>, vector<1x16xf32>,
        %get3A_497 = vector.shape_cast %get3A_496 : vector<1x16xf32> to vector<16xf32>
        %add3A_498 = arith.addf %add3A_491, %get3A_497 : vector<16xf32>
        %add3A_499 = arith.constant 1 : i32
        %add3A_500 = arith.addi %add3A_499, %scan3A_409 : i32
        %swap3A_501 = arith.index_cast %add3A_500 : i32 to index
        %swap3A_502 = arith.constant 32 : index
        %swap3A_503 = tpu.vector_load %arg9[%swap3A_501, %swap3A_502] {strides = array<i32>} : memref<129x128xf32, #tpu.memory_space<vmem>>, vector<1x16xf32>,
        %swap3A_504 = vector.shape_cast %swap3A_503 : vector<1x16xf32> to vector<16xf32>
        %swap3A_505 = vector.shape_cast %add3A_498 : vector<16xf32> to vector<1x16xf32>
        tpu.vector_store %arg9[%swap3A_501, %swap3A_502], %swap3A_505 {strides = array<i32>} : memref<129x128xf32, #tpu.memory_space<vmem>>, vector<1x16xf32>,
        %get3A_506 = arith.index_cast %scan3A_409 : i32 to index
        %get3A_507 = arith.constant 48 : index
        %get3A_508 = tpu.vector_load %arg7[%get3A_506, %get3A_507] {strides = array<i32>} : memref<256x128xf32, #tpu.memory_space<vmem>>, vector<1x16xf32>,
        %get3A_509 = vector.shape_cast %get3A_508 : vector<1x16xf32> to vector<16xf32>
        %add3A_510 = arith.constant 64 : i32
        %add3A_511 = arith.addi %add3A_510, %scan3A_409 : i32
        %get3A_512 = arith.index_cast %add3A_511 : i32 to index
        %get3A_513 = arith.constant 48 : index
        %get3A_514 = tpu.vector_load %arg7[%get3A_512, %get3A_513] {strides = array<i32>} : memref<256x128xf32, #tpu.memory_space<vmem>>, vector<1x16xf32>,
        %get3A_515 = vector.shape_cast %get3A_514 : vector<1x16xf32> to vector<16xf32>
        %add3A_516 = arith.addf %get3A_509, %get3A_515 : vector<16xf32>
        %add3A_517 = arith.constant 128 : i32
        %add3A_518 = arith.addi %add3A_517, %scan3A_409 : i32
        %get3A_519 = arith.index_cast %add3A_518 : i32 to index
        %get3A_520 = arith.constant 48 : index
        %get3A_521 = tpu.vector_load %arg7[%get3A_519, %get3A_520] {strides = array<i32>} : memref<256x128xf32, #tpu.memory_space<vmem>>, vector<1x16xf32>,
        %get3A_522 = vector.shape_cast %get3A_521 : vector<1x16xf32> to vector<16xf32>
        %add3A_523 = arith.addf %add3A_516, %get3A_522 : vector<16xf32>
        %add3A_524 = arith.constant 192 : i32
        %add3A_525 = arith.addi %add3A_524, %scan3A_409 : i32
        %get3A_526 = arith.index_cast %add3A_525 : i32 to index
        %get3A_527 = arith.constant 48 : index
        %get3A_528 = tpu.vector_load %arg7[%get3A_526, %get3A_527] {strides = array<i32>} : memref<256x128xf32, #tpu.memory_space<vmem>>, vector<1x16xf32>,
        %get3A_529 = vector.shape_cast %get3A_528 : vector<1x16xf32> to vector<16xf32>
        %add3A_530 = arith.addf %add3A_523, %get3A_529 : vector<16xf32>
        %add3A_531 = arith.constant 1 : i32
        %add3A_532 = arith.addi %add3A_531, %scan3A_409 : i32
        %swap3A_533 = arith.index_cast %add3A_532 : i32 to index
        %swap3A_534 = arith.constant 48 : index
        %swap3A_535 = tpu.vector_load %arg9[%swap3A_533, %swap3A_534] {strides = array<i32>} : memref<129x128xf32, #tpu.memory_space<vmem>>, vector<1x16xf32>,
        %swap3A_536 = vector.shape_cast %swap3A_535 : vector<1x16xf32> to vector<16xf32>
        %swap3A_537 = vector.shape_cast %add3A_530 : vector<16xf32> to vector<1x16xf32>
        tpu.vector_store %arg9[%swap3A_533, %swap3A_534], %swap3A_537 {strides = array<i32>} : memref<129x128xf32, #tpu.memory_space<vmem>>, vector<1x16xf32>,
        %get3A_538 = arith.index_cast %scan3A_409 : i32 to index
        %get3A_539 = arith.constant 64 : index
        %get3A_540 = tpu.vector_load %arg7[%get3A_538, %get3A_539] {strides = array<i32>} : memref<256x128xf32, #tpu.memory_space<vmem>>, vector<1x16xf32>,
        %get3A_541 = vector.shape_cast %get3A_540 : vector<1x16xf32> to vector<16xf32>
        %add3A_542 = arith.constant 64 : i32
        %add3A_543 = arith.addi %add3A_542, %scan3A_409 : i32
        %get3A_544 = arith.index_cast %add3A_543 : i32 to index
        %get3A_545 = arith.constant 64 : index
        %get3A_546 = tpu.vector_load %arg7[%get3A_544, %get3A_545] {strides = array<i32>} : memref<256x128xf32, #tpu.memory_space<vmem>>, vector<1x16xf32>,
        %get3A_547 = vector.shape_cast %get3A_546 : vector<1x16xf32> to vector<16xf32>
        %add3A_548 = arith.addf %get3A_541, %get3A_547 : vector<16xf32>
        %add3A_549 = arith.constant 128 : i32
        %add3A_550 = arith.addi %add3A_549, %scan3A_409 : i32
        %get3A_551 = arith.index_cast %add3A_550 : i32 to index
        %get3A_552 = arith.constant 64 : index
        %get3A_553 = tpu.vector_load %arg7[%get3A_551, %get3A_552] {strides = array<i32>} : memref<256x128xf32, #tpu.memory_space<vmem>>, vector<1x16xf32>,
        %get3A_554 = vector.shape_cast %get3A_553 : vector<1x16xf32> to vector<16xf32>
        %add3A_555 = arith.addf %add3A_548, %get3A_554 : vector<16xf32>
        %add3A_556 = arith.constant 192 : i32
        %add3A_557 = arith.addi %add3A_556, %scan3A_409 : i32
        %get3A_558 = arith.index_cast %add3A_557 : i32 to index
        %get3A_559 = arith.constant 64 : index
        %get3A_560 = tpu.vector_load %arg7[%get3A_558, %get3A_559] {strides = array<i32>} : memref<256x128xf32, #tpu.memory_space<vmem>>, vector<1x16xf32>,
        %get3A_561 = vector.shape_cast %get3A_560 : vector<1x16xf32> to vector<16xf32>
        %add3A_562 = arith.addf %add3A_555, %get3A_561 : vector<16xf32>
        %add3A_563 = arith.constant 1 : i32
        %add3A_564 = arith.addi %add3A_563, %scan3A_409 : i32
        %swap3A_565 = arith.index_cast %add3A_564 : i32 to index
        %swap3A_566 = arith.constant 64 : index
        %swap3A_567 = tpu.vector_load %arg9[%swap3A_565, %swap3A_566] {strides = array<i32>} : memref<129x128xf32, #tpu.memory_space<vmem>>, vector<1x16xf32>,
        %swap3A_568 = vector.shape_cast %swap3A_567 : vector<1x16xf32> to vector<16xf32>
        %swap3A_569 = vector.shape_cast %add3A_562 : vector<16xf32> to vector<1x16xf32>
        tpu.vector_store %arg9[%swap3A_565, %swap3A_566], %swap3A_569 {strides = array<i32>} : memref<129x128xf32, #tpu.memory_space<vmem>>, vector<1x16xf32>,
        %get3A_570 = arith.index_cast %scan3A_409 : i32 to index
        %get3A_571 = arith.constant 80 : index
        %get3A_572 = tpu.vector_load %arg7[%get3A_570, %get3A_571] {strides = array<i32>} : memref<256x128xf32, #tpu.memory_space<vmem>>, vector<1x16xf32>,
        %get3A_573 = vector.shape_cast %get3A_572 : vector<1x16xf32> to vector<16xf32>
        %add3A_574 = arith.constant 64 : i32
        %add3A_575 = arith.addi %add3A_574, %scan3A_409 : i32
        %get3A_576 = arith.index_cast %add3A_575 : i32 to index
        %get3A_577 = arith.constant 80 : index
        %get3A_578 = tpu.vector_load %arg7[%get3A_576, %get3A_577] {strides = array<i32>} : memref<256x128xf32, #tpu.memory_space<vmem>>, vector<1x16xf32>,
        %get3A_579 = vector.shape_cast %get3A_578 : vector<1x16xf32> to vector<16xf32>
        %add3A_580 = arith.addf %get3A_573, %get3A_579 : vector<16xf32>
        %add3A_581 = arith.constant 128 : i32
        %add3A_582 = arith.addi %add3A_581, %scan3A_409 : i32
        %get3A_583 = arith.index_cast %add3A_582 : i32 to index
        %get3A_584 = arith.constant 80 : index
        %get3A_585 = tpu.vector_load %arg7[%get3A_583, %get3A_584] {strides = array<i32>} : memref<256x128xf32, #tpu.memory_space<vmem>>, vector<1x16xf32>,
        %get3A_586 = vector.shape_cast %get3A_585 : vector<1x16xf32> to vector<16xf32>
        %add3A_587 = arith.addf %add3A_580, %get3A_586 : vector<16xf32>
        %add3A_588 = arith.constant 192 : i32
        %add3A_589 = arith.addi %add3A_588, %scan3A_409 : i32
        %get3A_590 = arith.index_cast %add3A_589 : i32 to index
        %get3A_591 = arith.constant 80 : index
        %get3A_592 = tpu.vector_load %arg7[%get3A_590, %get3A_591] {strides = array<i32>} : memref<256x128xf32, #tpu.memory_space<vmem>>, vector<1x16xf32>,
        %get3A_593 = vector.shape_cast %get3A_592 : vector<1x16xf32> to vector<16xf32>
        %add3A_594 = arith.addf %add3A_587, %get3A_593 : vector<16xf32>
        %add3A_595 = arith.constant 1 : i32
        %add3A_596 = arith.addi %add3A_595, %scan3A_409 : i32
        %swap3A_597 = arith.index_cast %add3A_596 : i32 to index
        %swap3A_598 = arith.constant 80 : index
        %swap3A_599 = tpu.vector_load %arg9[%swap3A_597, %swap3A_598] {strides = array<i32>} : memref<129x128xf32, #tpu.memory_space<vmem>>, vector<1x16xf32>,
        %swap3A_600 = vector.shape_cast %swap3A_599 : vector<1x16xf32> to vector<16xf32>
        %swap3A_601 = vector.shape_cast %add3A_594 : vector<16xf32> to vector<1x16xf32>
        tpu.vector_store %arg9[%swap3A_597, %swap3A_598], %swap3A_601 {strides = array<i32>} : memref<129x128xf32, #tpu.memory_space<vmem>>, vector<1x16xf32>,
        %get3A_602 = arith.index_cast %scan3A_409 : i32 to index
        %get3A_603 = arith.constant 96 : index
        %get3A_604 = tpu.vector_load %arg7[%get3A_602, %get3A_603] {strides = array<i32>} : memref<256x128xf32, #tpu.memory_space<vmem>>, vector<1x16xf32>,
        %get3A_605 = vector.shape_cast %get3A_604 : vector<1x16xf32> to vector<16xf32>
        %add3A_606 = arith.constant 64 : i32
        %add3A_607 = arith.addi %add3A_606, %scan3A_409 : i32
        %get3A_608 = arith.index_cast %add3A_607 : i32 to index
        %get3A_609 = arith.constant 96 : index
        %get3A_610 = tpu.vector_load %arg7[%get3A_608, %get3A_609] {strides = array<i32>} : memref<256x128xf32, #tpu.memory_space<vmem>>, vector<1x16xf32>,
        %get3A_611 = vector.shape_cast %get3A_610 : vector<1x16xf32> to vector<16xf32>
        %add3A_612 = arith.addf %get3A_605, %get3A_611 : vector<16xf32>
        %add3A_613 = arith.constant 128 : i32
        %add3A_614 = arith.addi %add3A_613, %scan3A_409 : i32
        %get3A_615 = arith.index_cast %add3A_614 : i32 to index
        %get3A_616 = arith.constant 96 : index
        %get3A_617 = tpu.vector_load %arg7[%get3A_615, %get3A_616] {strides = array<i32>} : memref<256x128xf32, #tpu.memory_space<vmem>>, vector<1x16xf32>,
        %get3A_618 = vector.shape_cast %get3A_617 : vector<1x16xf32> to vector<16xf32>
        %add3A_619 = arith.addf %add3A_612, %get3A_618 : vector<16xf32>
        %add3A_620 = arith.constant 192 : i32
        %add3A_621 = arith.addi %add3A_620, %scan3A_409 : i32
        %get3A_622 = arith.index_cast %add3A_621 : i32 to index
        %get3A_623 = arith.constant 96 : index
        %get3A_624 = tpu.vector_load %arg7[%get3A_622, %get3A_623] {strides = array<i32>} : memref<256x128xf32, #tpu.memory_space<vmem>>, vector<1x16xf32>,
        %get3A_625 = vector.shape_cast %get3A_624 : vector<1x16xf32> to vector<16xf32>
        %add3A_626 = arith.addf %add3A_619, %get3A_625 : vector<16xf32>
        %add3A_627 = arith.constant 1 : i32
        %add3A_628 = arith.addi %add3A_627, %scan3A_409 : i32
        %swap3A_629 = arith.index_cast %add3A_628 : i32 to index
        %swap3A_630 = arith.constant 96 : index
        %swap3A_631 = tpu.vector_load %arg9[%swap3A_629, %swap3A_630] {strides = array<i32>} : memref<129x128xf32, #tpu.memory_space<vmem>>, vector<1x16xf32>,
        %swap3A_632 = vector.shape_cast %swap3A_631 : vector<1x16xf32> to vector<16xf32>
        %swap3A_633 = vector.shape_cast %add3A_626 : vector<16xf32> to vector<1x16xf32>
        tpu.vector_store %arg9[%swap3A_629, %swap3A_630], %swap3A_633 {strides = array<i32>} : memref<129x128xf32, #tpu.memory_space<vmem>>, vector<1x16xf32>,
        %get3A_634 = arith.index_cast %scan3A_409 : i32 to index
        %get3A_635 = arith.constant 112 : index
        %get3A_636 = tpu.vector_load %arg7[%get3A_634, %get3A_635] {strides = array<i32>} : memref<256x128xf32, #tpu.memory_space<vmem>>, vector<1x16xf32>,
        %get3A_637 = vector.shape_cast %get3A_636 : vector<1x16xf32> to vector<16xf32>
        %add3A_638 = arith.constant 64 : i32
        %add3A_639 = arith.addi %add3A_638, %scan3A_409 : i32
        %get3A_640 = arith.index_cast %add3A_639 : i32 to index
        %get3A_641 = arith.constant 112 : index
        %get3A_642 = tpu.vector_load %arg7[%get3A_640, %get3A_641] {strides = array<i32>} : memref<256x128xf32, #tpu.memory_space<vmem>>, vector<1x16xf32>,
        %get3A_643 = vector.shape_cast %get3A_642 : vector<1x16xf32> to vector<16xf32>
        %add3A_644 = arith.addf %get3A_637, %get3A_643 : vector<16xf32>
        %add3A_645 = arith.constant 128 : i32
        %add3A_646 = arith.addi %add3A_645, %scan3A_409 : i32
        %get3A_647 = arith.index_cast %add3A_646 : i32 to index
        %get3A_648 = arith.constant 112 : index
        %get3A_649 = tpu.vector_load %arg7[%get3A_647, %get3A_648] {strides = array<i32>} : memref<256x128xf32, #tpu.memory_space<vmem>>, vector<1x16xf32>,
        %get3A_650 = vector.shape_cast %get3A_649 : vector<1x16xf32> to vector<16xf32>
        %add3A_651 = arith.addf %add3A_644, %get3A_650 : vector<16xf32>
        %add3A_652 = arith.constant 192 : i32
        %add3A_653 = arith.addi %add3A_652, %scan3A_409 : i32
        %get3A_654 = arith.index_cast %add3A_653 : i32 to index
        %get3A_655 = arith.constant 112 : index
        %get3A_656 = tpu.vector_load %arg7[%get3A_654, %get3A_655] {strides = array<i32>} : memref<256x128xf32, #tpu.memory_space<vmem>>, vector<1x16xf32>,
        %get3A_657 = vector.shape_cast %get3A_656 : vector<1x16xf32> to vector<16xf32>
        %add3A_658 = arith.addf %add3A_651, %get3A_657 : vector<16xf32>
        %add3A_659 = arith.constant 1 : i32
        %add3A_660 = arith.addi %add3A_659, %scan3A_409 : i32
        %swap3A_661 = arith.index_cast %add3A_660 : i32 to index
        %swap3A_662 = arith.constant 112 : index
        %swap3A_663 = tpu.vector_load %arg9[%swap3A_661, %swap3A_662] {strides = array<i32>} : memref<129x128xf32, #tpu.memory_space<vmem>>, vector<1x16xf32>,
        %swap3A_664 = vector.shape_cast %swap3A_663 : vector<1x16xf32> to vector<16xf32>
        %swap3A_665 = vector.shape_cast %add3A_658 : vector<16xf32> to vector<1x16xf32>
        tpu.vector_store %arg9[%swap3A_661, %swap3A_662], %swap3A_665 {strides = array<i32>} : memref<129x128xf32, #tpu.memory_space<vmem>>, vector<1x16xf32>,
      }
      %scan3A_106 = arith.constant 64 : i32
      %lt3A = arith.constant 15 : i32
      %lt3A_107 = arith.cmpi slt, %scan3A_41, %lt3A : i32
      %convert_element_type3A_108 = arith.extui %lt3A_107 : i1 to i32
      %cond3A_109 = arith.constant 0 : i32
      %cond3A_110 = arith.cmpi ne, %convert_element_type3A_108, %cond3A_109 : i32
      scf.if %cond3A_110 {
        %add3A_153 = arith.constant 1 : i32
        %add3A_154 = arith.addi %scan3A_41, %add3A_153 : i32
        %mul3A_155 = arith.constant 2 : i32
        %mul3A_156 = arith.muli %add3A_154, %mul3A_155 : i32
        %add3A_157 = arith.constant 0 : i32
        %add3A_158 = arith.addi %mul3A_156, %add3A_157 : i32
        %mul3A_159 = arith.constant 2 : i32
        %mul3A_160 = arith.muli %add3A_158, %mul3A_159 : i32
        %add3A_161 = arith.constant 0 : i32
        %add3A_162 = arith.addi %mul3A_160, %add3A_161 : i32
        %dma_start3A_163 = arith.constant 0 : i32
        %dma_start3A_164 = arith.constant 0 : i32
        %dma_start3A_165 = tpu.memref_slice %arg7[%dma_start3A_163, %dma_start3A_164] : memref<256x128xf32, #tpu.memory_space<vmem>> -> memref<128x128xf32, #tpu.memory_space<vmem>>
        %dma_start3A_166 = arith.constant 0 : i32
        %dma_start3A_167 = tpu.memref_slice %arg6[%add3A_162, %dma_start3A_166] : memref<64x128xi32, #tpu.memory_space<vmem>> -> memref<1x128xi32, #tpu.memory_space<vmem>>
        %dma_start3A_168 = tpu.memref_squeeze %dma_start3A_167 : memref<1x128xi32, #tpu.memory_space<vmem>> -> memref<128xi32, #tpu.memory_space<vmem>>
        %dma_start3A_169 = arith.constant 0 : i32
        %dma_start3A_170 = arith.constant 0 : i32
        %dma_start3A_171 = tpu.memref_slice %arg3[%dma_start3A_169, %dma_start3A_170] : memref<100000x128xf32, #tpu.memory_space<hbm>> -> memref<100000x128xf32, #tpu.memory_space<hbm>>
        tpu.enqueue_indirect_dma source(%dma_start3A_171 : memref<100000x128xf32, #tpu.memory_space<hbm>>) target(%dma_start3A_165 : memref<128x128xf32, #tpu.memory_space<vmem>>) offsets(%dma_start3A_168 : memref<128xi32, #tpu.memory_space<vmem>>) semaphore(%arg10 : memref<!tpu.dma_semaphore, #tpu.memory_space<semaphore_mem>>)
        %add3A_172 = arith.constant 1 : i32
        %add3A_173 = arith.addi %mul3A_160, %add3A_172 : i32
        %dma_start3A_174 = arith.constant 128 : i32
        %dma_start3A_175 = arith.constant 0 : i32
        %dma_start3A_176 = tpu.memref_slice %arg7[%dma_start3A_174, %dma_start3A_175] : memref<256x128xf32, #tpu.memory_space<vmem>> -> memref<128x128xf32, #tpu.memory_space<vmem>>
        %dma_start3A_177 = arith.constant 0 : i32
        %dma_start3A_178 = tpu.memref_slice %arg6[%add3A_173, %dma_start3A_177] : memref<64x128xi32, #tpu.memory_space<vmem>> -> memref<1x128xi32, #tpu.memory_space<vmem>>
        %dma_start3A_179 = tpu.memref_squeeze %dma_start3A_178 : memref<1x128xi32, #tpu.memory_space<vmem>> -> memref<128xi32, #tpu.memory_space<vmem>>
        %dma_start3A_180 = arith.constant 0 : i32
        %dma_start3A_181 = arith.constant 0 : i32
        %dma_start3A_182 = tpu.memref_slice %arg3[%dma_start3A_180, %dma_start3A_181] : memref<100000x128xf32, #tpu.memory_space<hbm>> -> memref<100000x128xf32, #tpu.memory_space<hbm>>
        tpu.enqueue_indirect_dma source(%dma_start3A_182 : memref<100000x128xf32, #tpu.memory_space<hbm>>) target(%dma_start3A_176 : memref<128x128xf32, #tpu.memory_space<vmem>>) offsets(%dma_start3A_179 : memref<128xi32, #tpu.memory_space<vmem>>) semaphore(%arg10 : memref<!tpu.dma_semaphore, #tpu.memory_space<semaphore_mem>>)
      } else {
      }
      %mul3A_111 = arith.constant 2 : i32
      %mul3A_112 = arith.muli %scan3A_41, %mul3A_111 : i32
      %add3A_113 = arith.constant 1 : i32
      %add3A_114 = arith.addi %mul3A_112, %add3A_113 : i32
      %mul3A_115 = arith.constant 2 : i32
      %mul3A_116 = arith.muli %add3A_114, %mul3A_115 : i32
      %add3A_117 = arith.constant 0 : i32
      %add3A_118 = arith.addi %mul3A_116, %add3A_117 : i32
      %dma_wait3A_119 = arith.constant 0 : i32
      %dma_wait3A_120 = arith.constant 0 : i32
      %dma_wait3A_121 = tpu.memref_slice %arg8[%dma_wait3A_119, %dma_wait3A_120] : memref<256x128xf32, #tpu.memory_space<vmem>> -> memref<128x128xf32, #tpu.memory_space<vmem>>
      %dma_wait3A_122 = arith.constant 0 : i32
      %dma_wait3A_123 = tpu.memref_slice %arg6[%add3A_118, %dma_wait3A_122] : memref<64x128xi32, #tpu.memory_space<vmem>> -> memref<1x128xi32, #tpu.memory_space<vmem>>
      %dma_wait3A_124 = tpu.memref_squeeze %dma_wait3A_123 : memref<1x128xi32, #tpu.memory_space<vmem>> -> memref<128xi32, #tpu.memory_space<vmem>>
      %dma_wait3A_125 = arith.constant 0 : i32
      %dma_wait3A_126 = arith.constant 0 : i32
      %dma_wait3A_127 = tpu.memref_slice %arg3[%dma_wait3A_125, %dma_wait3A_126] : memref<100000x128xf32, #tpu.memory_space<hbm>> -> memref<100000x128xf32, #tpu.memory_space<hbm>>
      tpu.wait_indirect_dma semaphore(%arg11 : memref<!tpu.dma_semaphore, #tpu.memory_space<semaphore_mem>>) src(%dma_wait3A_127 : memref<100000x128xf32, #tpu.memory_space<hbm>>) dst(%dma_wait3A_121 : memref<128x128xf32, #tpu.memory_space<vmem>>)
      %add3A_128 = arith.constant 1 : i32
      %add3A_129 = arith.addi %mul3A_116, %add3A_128 : i32
      %dma_wait3A_130 = arith.constant 128 : i32
      %dma_wait3A_131 = arith.constant 0 : i32
      %dma_wait3A_132 = tpu.memref_slice %arg8[%dma_wait3A_130, %dma_wait3A_131] : memref<256x128xf32, #tpu.memory_space<vmem>> -> memref<128x128xf32, #tpu.memory_space<vmem>>
      %dma_wait3A_133 = arith.constant 0 : i32
      %dma_wait3A_134 = tpu.memref_slice %arg6[%add3A_129, %dma_wait3A_133] : memref<64x128xi32, #tpu.memory_space<vmem>> -> memref<1x128xi32, #tpu.memory_space<vmem>>
      %dma_wait3A_135 = tpu.memref_squeeze %dma_wait3A_134 : memref<1x128xi32, #tpu.memory_space<vmem>> -> memref<128xi32, #tpu.memory_space<vmem>>
      %dma_wait3A_136 = arith.constant 0 : i32
      %dma_wait3A_137 = arith.constant 0 : i32
      %dma_wait3A_138 = tpu.memref_slice %arg3[%dma_wait3A_136, %dma_wait3A_137] : memref<100000x128xf32, #tpu.memory_space<hbm>> -> memref<100000x128xf32, #tpu.memory_space<hbm>>
      tpu.wait_indirect_dma semaphore(%arg11 : memref<!tpu.dma_semaphore, #tpu.memory_space<semaphore_mem>>) src(%dma_wait3A_138 : memref<100000x128xf32, #tpu.memory_space<hbm>>) dst(%dma_wait3A_132 : memref<128x128xf32, #tpu.memory_space<vmem>>)
      %scan3A_139 = arith.constant 0 : i32
      %scan3A_140 = arith.constant 0 : i32
      %scan3A_141 = arith.constant 64 : i32
      %scan3A_142 = arith.addi %scan3A_140, %scan3A_141 : i32
      %scan3A_143 = arith.constant 2 : i32
      scf.for %scan3A_153 = %scan3A_140 to %scan3A_142 step %scan3A_143  : i32 {
        %get3A = arith.index_cast %scan3A_153 : i32 to index
        %get3A_154 = arith.constant 0 : index
        %get3A_155 = tpu.vector_load %arg8[%get3A, %get3A_154] {strides = array<i32>} : memref<256x128xf32, #tpu.memory_space<vmem>>, vector<1x16xf32>,
        %get3A_156 = vector.shape_cast %get3A_155 : vector<1x16xf32> to vector<16xf32>
        %add3A_157 = arith.constant 64 : i32
        %add3A_158 = arith.addi %add3A_157, %scan3A_153 : i32
        %get3A_159 = arith.index_cast %add3A_158 : i32 to index
        %get3A_160 = arith.constant 0 : index
        %get3A_161 = tpu.vector_load %arg8[%get3A_159, %get3A_160] {strides = array<i32>} : memref<256x128xf32, #tpu.memory_space<vmem>>, vector<1x16xf32>,
        %get3A_162 = vector.shape_cast %get3A_161 : vector<1x16xf32> to vector<16xf32>
        %add3A_163 = arith.addf %get3A_156, %get3A_162 : vector<16xf32>
        %add3A_164 = arith.constant 128 : i32
        %add3A_165 = arith.addi %add3A_164, %scan3A_153 : i32
        %get3A_166 = arith.index_cast %add3A_165 : i32 to index
        %get3A_167 = arith.constant 0 : index
        %get3A_168 = tpu.vector_load %arg8[%get3A_166, %get3A_167] {strides = array<i32>} : memref<256x128xf32, #tpu.memory_space<vmem>>, vector<1x16xf32>,
        %get3A_169 = vector.shape_cast %get3A_168 : vector<1x16xf32> to vector<16xf32>
        %add3A_170 = arith.addf %add3A_163, %get3A_169 : vector<16xf32>
        %add3A_171 = arith.constant 192 : i32
        %add3A_172 = arith.addi %add3A_171, %scan3A_153 : i32
        %get3A_173 = arith.index_cast %add3A_172 : i32 to index
        %get3A_174 = arith.constant 0 : index
        %get3A_175 = tpu.vector_load %arg8[%get3A_173, %get3A_174] {strides = array<i32>} : memref<256x128xf32, #tpu.memory_space<vmem>>, vector<1x16xf32>,
        %get3A_176 = vector.shape_cast %get3A_175 : vector<1x16xf32> to vector<16xf32>
        %add3A_177 = arith.addf %add3A_170, %get3A_176 : vector<16xf32>
        %add3A_178 = arith.constant 65 : i32
        %add3A_179 = arith.addi %add3A_178, %scan3A_153 : i32
        %swap3A = arith.index_cast %add3A_179 : i32 to index
        %swap3A_180 = arith.constant 0 : index
        %swap3A_181 = tpu.vector_load %arg9[%swap3A, %swap3A_180] {strides = array<i32>} : memref<129x128xf32, #tpu.memory_space<vmem>>, vector<1x16xf32>,
        %swap3A_182 = vector.shape_cast %swap3A_181 : vector<1x16xf32> to vector<16xf32>
        %swap3A_183 = vector.shape_cast %add3A_177 : vector<16xf32> to vector<1x16xf32>
        tpu.vector_store %arg9[%swap3A, %swap3A_180], %swap3A_183 {strides = array<i32>} : memref<129x128xf32, #tpu.memory_space<vmem>>, vector<1x16xf32>,
        %get3A_184 = arith.index_cast %scan3A_153 : i32 to index
        %get3A_185 = arith.constant 16 : index
        %get3A_186 = tpu.vector_load %arg8[%get3A_184, %get3A_185] {strides = array<i32>} : memref<256x128xf32, #tpu.memory_space<vmem>>, vector<1x16xf32>,
        %get3A_187 = vector.shape_cast %get3A_186 : vector<1x16xf32> to vector<16xf32>
        %add3A_188 = arith.constant 64 : i32
        %add3A_189 = arith.addi %add3A_188, %scan3A_153 : i32
        %get3A_190 = arith.index_cast %add3A_189 : i32 to index
        %get3A_191 = arith.constant 16 : index
        %get3A_192 = tpu.vector_load %arg8[%get3A_190, %get3A_191] {strides = array<i32>} : memref<256x128xf32, #tpu.memory_space<vmem>>, vector<1x16xf32>,
        %get3A_193 = vector.shape_cast %get3A_192 : vector<1x16xf32> to vector<16xf32>
        %add3A_194 = arith.addf %get3A_187, %get3A_193 : vector<16xf32>
        %add3A_195 = arith.constant 128 : i32
        %add3A_196 = arith.addi %add3A_195, %scan3A_153 : i32
        %get3A_197 = arith.index_cast %add3A_196 : i32 to index
        %get3A_198 = arith.constant 16 : index
        %get3A_199 = tpu.vector_load %arg8[%get3A_197, %get3A_198] {strides = array<i32>} : memref<256x128xf32, #tpu.memory_space<vmem>>, vector<1x16xf32>,
        %get3A_200 = vector.shape_cast %get3A_199 : vector<1x16xf32> to vector<16xf32>
        %add3A_201 = arith.addf %add3A_194, %get3A_200 : vector<16xf32>
        %add3A_202 = arith.constant 192 : i32
        %add3A_203 = arith.addi %add3A_202, %scan3A_153 : i32
        %get3A_204 = arith.index_cast %add3A_203 : i32 to index
        %get3A_205 = arith.constant 16 : index
        %get3A_206 = tpu.vector_load %arg8[%get3A_204, %get3A_205] {strides = array<i32>} : memref<256x128xf32, #tpu.memory_space<vmem>>, vector<1x16xf32>,
        %get3A_207 = vector.shape_cast %get3A_206 : vector<1x16xf32> to vector<16xf32>
        %add3A_208 = arith.addf %add3A_201, %get3A_207 : vector<16xf32>
        %add3A_209 = arith.constant 65 : i32
        %add3A_210 = arith.addi %add3A_209, %scan3A_153 : i32
        %swap3A_211 = arith.index_cast %add3A_210 : i32 to index
        %swap3A_212 = arith.constant 16 : index
        %swap3A_213 = tpu.vector_load %arg9[%swap3A_211, %swap3A_212] {strides = array<i32>} : memref<129x128xf32, #tpu.memory_space<vmem>>, vector<1x16xf32>,
        %swap3A_214 = vector.shape_cast %swap3A_213 : vector<1x16xf32> to vector<16xf32>
        %swap3A_215 = vector.shape_cast %add3A_208 : vector<16xf32> to vector<1x16xf32>
        tpu.vector_store %arg9[%swap3A_211, %swap3A_212], %swap3A_215 {strides = array<i32>} : memref<129x128xf32, #tpu.memory_space<vmem>>, vector<1x16xf32>,
        %get3A_216 = arith.index_cast %scan3A_153 : i32 to index
        %get3A_217 = arith.constant 32 : index
        %get3A_218 = tpu.vector_load %arg8[%get3A_216, %get3A_217] {strides = array<i32>} : memref<256x128xf32, #tpu.memory_space<vmem>>, vector<1x16xf32>,
        %get3A_219 = vector.shape_cast %get3A_218 : vector<1x16xf32> to vector<16xf32>
        %add3A_220 = arith.constant 64 : i32
        %add3A_221 = arith.addi %add3A_220, %scan3A_153 : i32
        %get3A_222 = arith.index_cast %add3A_221 : i32 to index
        %get3A_223 = arith.constant 32 : index
        %get3A_224 = tpu.vector_load %arg8[%get3A_222, %get3A_223] {strides = array<i32>} : memref<256x128xf32, #tpu.memory_space<vmem>>, vector<1x16xf32>,
        %get3A_225 = vector.shape_cast %get3A_224 : vector<1x16xf32> to vector<16xf32>
        %add3A_226 = arith.addf %get3A_219, %get3A_225 : vector<16xf32>
        %add3A_227 = arith.constant 128 : i32
        %add3A_228 = arith.addi %add3A_227, %scan3A_153 : i32
        %get3A_229 = arith.index_cast %add3A_228 : i32 to index
        %get3A_230 = arith.constant 32 : index
        %get3A_231 = tpu.vector_load %arg8[%get3A_229, %get3A_230] {strides = array<i32>} : memref<256x128xf32, #tpu.memory_space<vmem>>, vector<1x16xf32>,
        %get3A_232 = vector.shape_cast %get3A_231 : vector<1x16xf32> to vector<16xf32>
        %add3A_233 = arith.addf %add3A_226, %get3A_232 : vector<16xf32>
        %add3A_234 = arith.constant 192 : i32
        %add3A_235 = arith.addi %add3A_234, %scan3A_153 : i32
        %get3A_236 = arith.index_cast %add3A_235 : i32 to index
        %get3A_237 = arith.constant 32 : index
        %get3A_238 = tpu.vector_load %arg8[%get3A_236, %get3A_237] {strides = array<i32>} : memref<256x128xf32, #tpu.memory_space<vmem>>, vector<1x16xf32>,
        %get3A_239 = vector.shape_cast %get3A_238 : vector<1x16xf32> to vector<16xf32>
        %add3A_240 = arith.addf %add3A_233, %get3A_239 : vector<16xf32>
        %add3A_241 = arith.constant 65 : i32
        %add3A_242 = arith.addi %add3A_241, %scan3A_153 : i32
        %swap3A_243 = arith.index_cast %add3A_242 : i32 to index
        %swap3A_244 = arith.constant 32 : index
        %swap3A_245 = tpu.vector_load %arg9[%swap3A_243, %swap3A_244] {strides = array<i32>} : memref<129x128xf32, #tpu.memory_space<vmem>>, vector<1x16xf32>,
        %swap3A_246 = vector.shape_cast %swap3A_245 : vector<1x16xf32> to vector<16xf32>
        %swap3A_247 = vector.shape_cast %add3A_240 : vector<16xf32> to vector<1x16xf32>
        tpu.vector_store %arg9[%swap3A_243, %swap3A_244], %swap3A_247 {strides = array<i32>} : memref<129x128xf32, #tpu.memory_space<vmem>>, vector<1x16xf32>,
        %get3A_248 = arith.index_cast %scan3A_153 : i32 to index
        %get3A_249 = arith.constant 48 : index
        %get3A_250 = tpu.vector_load %arg8[%get3A_248, %get3A_249] {strides = array<i32>} : memref<256x128xf32, #tpu.memory_space<vmem>>, vector<1x16xf32>,
        %get3A_251 = vector.shape_cast %get3A_250 : vector<1x16xf32> to vector<16xf32>
        %add3A_252 = arith.constant 64 : i32
        %add3A_253 = arith.addi %add3A_252, %scan3A_153 : i32
        %get3A_254 = arith.index_cast %add3A_253 : i32 to index
        %get3A_255 = arith.constant 48 : index
        %get3A_256 = tpu.vector_load %arg8[%get3A_254, %get3A_255] {strides = array<i32>} : memref<256x128xf32, #tpu.memory_space<vmem>>, vector<1x16xf32>,
        %get3A_257 = vector.shape_cast %get3A_256 : vector<1x16xf32> to vector<16xf32>
        %add3A_258 = arith.addf %get3A_251, %get3A_257 : vector<16xf32>
        %add3A_259 = arith.constant 128 : i32
        %add3A_260 = arith.addi %add3A_259, %scan3A_153 : i32
        %get3A_261 = arith.index_cast %add3A_260 : i32 to index
        %get3A_262 = arith.constant 48 : index
        %get3A_263 = tpu.vector_load %arg8[%get3A_261, %get3A_262] {strides = array<i32>} : memref<256x128xf32, #tpu.memory_space<vmem>>, vector<1x16xf32>,
        %get3A_264 = vector.shape_cast %get3A_263 : vector<1x16xf32> to vector<16xf32>
        %add3A_265 = arith.addf %add3A_258, %get3A_264 : vector<16xf32>
        %add3A_266 = arith.constant 192 : i32
        %add3A_267 = arith.addi %add3A_266, %scan3A_153 : i32
        %get3A_268 = arith.index_cast %add3A_267 : i32 to index
        %get3A_269 = arith.constant 48 : index
        %get3A_270 = tpu.vector_load %arg8[%get3A_268, %get3A_269] {strides = array<i32>} : memref<256x128xf32, #tpu.memory_space<vmem>>, vector<1x16xf32>,
        %get3A_271 = vector.shape_cast %get3A_270 : vector<1x16xf32> to vector<16xf32>
        %add3A_272 = arith.addf %add3A_265, %get3A_271 : vector<16xf32>
        %add3A_273 = arith.constant 65 : i32
        %add3A_274 = arith.addi %add3A_273, %scan3A_153 : i32
        %swap3A_275 = arith.index_cast %add3A_274 : i32 to index
        %swap3A_276 = arith.constant 48 : index
        %swap3A_277 = tpu.vector_load %arg9[%swap3A_275, %swap3A_276] {strides = array<i32>} : memref<129x128xf32, #tpu.memory_space<vmem>>, vector<1x16xf32>,
        %swap3A_278 = vector.shape_cast %swap3A_277 : vector<1x16xf32> to vector<16xf32>
        %swap3A_279 = vector.shape_cast %add3A_272 : vector<16xf32> to vector<1x16xf32>
        tpu.vector_store %arg9[%swap3A_275, %swap3A_276], %swap3A_279 {strides = array<i32>} : memref<129x128xf32, #tpu.memory_space<vmem>>, vector<1x16xf32>,
        %get3A_280 = arith.index_cast %scan3A_153 : i32 to index
        %get3A_281 = arith.constant 64 : index
        %get3A_282 = tpu.vector_load %arg8[%get3A_280, %get3A_281] {strides = array<i32>} : memref<256x128xf32, #tpu.memory_space<vmem>>, vector<1x16xf32>,
        %get3A_283 = vector.shape_cast %get3A_282 : vector<1x16xf32> to vector<16xf32>
        %add3A_284 = arith.constant 64 : i32
        %add3A_285 = arith.addi %add3A_284, %scan3A_153 : i32
        %get3A_286 = arith.index_cast %add3A_285 : i32 to index
        %get3A_287 = arith.constant 64 : index
        %get3A_288 = tpu.vector_load %arg8[%get3A_286, %get3A_287] {strides = array<i32>} : memref<256x128xf32, #tpu.memory_space<vmem>>, vector<1x16xf32>,
        %get3A_289 = vector.shape_cast %get3A_288 : vector<1x16xf32> to vector<16xf32>
        %add3A_290 = arith.addf %get3A_283, %get3A_289 : vector<16xf32>
        %add3A_291 = arith.constant 128 : i32
        %add3A_292 = arith.addi %add3A_291, %scan3A_153 : i32
        %get3A_293 = arith.index_cast %add3A_292 : i32 to index
        %get3A_294 = arith.constant 64 : index
        %get3A_295 = tpu.vector_load %arg8[%get3A_293, %get3A_294] {strides = array<i32>} : memref<256x128xf32, #tpu.memory_space<vmem>>, vector<1x16xf32>,
        %get3A_296 = vector.shape_cast %get3A_295 : vector<1x16xf32> to vector<16xf32>
        %add3A_297 = arith.addf %add3A_290, %get3A_296 : vector<16xf32>
        %add3A_298 = arith.constant 192 : i32
        %add3A_299 = arith.addi %add3A_298, %scan3A_153 : i32
        %get3A_300 = arith.index_cast %add3A_299 : i32 to index
        %get3A_301 = arith.constant 64 : index
        %get3A_302 = tpu.vector_load %arg8[%get3A_300, %get3A_301] {strides = array<i32>} : memref<256x128xf32, #tpu.memory_space<vmem>>, vector<1x16xf32>,
        %get3A_303 = vector.shape_cast %get3A_302 : vector<1x16xf32> to vector<16xf32>
        %add3A_304 = arith.addf %add3A_297, %get3A_303 : vector<16xf32>
        %add3A_305 = arith.constant 65 : i32
        %add3A_306 = arith.addi %add3A_305, %scan3A_153 : i32
        %swap3A_307 = arith.index_cast %add3A_306 : i32 to index
        %swap3A_308 = arith.constant 64 : index
        %swap3A_309 = tpu.vector_load %arg9[%swap3A_307, %swap3A_308] {strides = array<i32>} : memref<129x128xf32, #tpu.memory_space<vmem>>, vector<1x16xf32>,
        %swap3A_310 = vector.shape_cast %swap3A_309 : vector<1x16xf32> to vector<16xf32>
        %swap3A_311 = vector.shape_cast %add3A_304 : vector<16xf32> to vector<1x16xf32>
        tpu.vector_store %arg9[%swap3A_307, %swap3A_308], %swap3A_311 {strides = array<i32>} : memref<129x128xf32, #tpu.memory_space<vmem>>, vector<1x16xf32>,
        %get3A_312 = arith.index_cast %scan3A_153 : i32 to index
        %get3A_313 = arith.constant 80 : index
        %get3A_314 = tpu.vector_load %arg8[%get3A_312, %get3A_313] {strides = array<i32>} : memref<256x128xf32, #tpu.memory_space<vmem>>, vector<1x16xf32>,
        %get3A_315 = vector.shape_cast %get3A_314 : vector<1x16xf32> to vector<16xf32>
        %add3A_316 = arith.constant 64 : i32
        %add3A_317 = arith.addi %add3A_316, %scan3A_153 : i32
        %get3A_318 = arith.index_cast %add3A_317 : i32 to index
        %get3A_319 = arith.constant 80 : index
        %get3A_320 = tpu.vector_load %arg8[%get3A_318, %get3A_319] {strides = array<i32>} : memref<256x128xf32, #tpu.memory_space<vmem>>, vector<1x16xf32>,
        %get3A_321 = vector.shape_cast %get3A_320 : vector<1x16xf32> to vector<16xf32>
        %add3A_322 = arith.addf %get3A_315, %get3A_321 : vector<16xf32>
        %add3A_323 = arith.constant 128 : i32
        %add3A_324 = arith.addi %add3A_323, %scan3A_153 : i32
        %get3A_325 = arith.index_cast %add3A_324 : i32 to index
        %get3A_326 = arith.constant 80 : index
        %get3A_327 = tpu.vector_load %arg8[%get3A_325, %get3A_326] {strides = array<i32>} : memref<256x128xf32, #tpu.memory_space<vmem>>, vector<1x16xf32>,
        %get3A_328 = vector.shape_cast %get3A_327 : vector<1x16xf32> to vector<16xf32>
        %add3A_329 = arith.addf %add3A_322, %get3A_328 : vector<16xf32>
        %add3A_330 = arith.constant 192 : i32
        %add3A_331 = arith.addi %add3A_330, %scan3A_153 : i32
        %get3A_332 = arith.index_cast %add3A_331 : i32 to index
        %get3A_333 = arith.constant 80 : index
        %get3A_334 = tpu.vector_load %arg8[%get3A_332, %get3A_333] {strides = array<i32>} : memref<256x128xf32, #tpu.memory_space<vmem>>, vector<1x16xf32>,
        %get3A_335 = vector.shape_cast %get3A_334 : vector<1x16xf32> to vector<16xf32>
        %add3A_336 = arith.addf %add3A_329, %get3A_335 : vector<16xf32>
        %add3A_337 = arith.constant 65 : i32
        %add3A_338 = arith.addi %add3A_337, %scan3A_153 : i32
        %swap3A_339 = arith.index_cast %add3A_338 : i32 to index
        %swap3A_340 = arith.constant 80 : index
        %swap3A_341 = tpu.vector_load %arg9[%swap3A_339, %swap3A_340] {strides = array<i32>} : memref<129x128xf32, #tpu.memory_space<vmem>>, vector<1x16xf32>,
        %swap3A_342 = vector.shape_cast %swap3A_341 : vector<1x16xf32> to vector<16xf32>
        %swap3A_343 = vector.shape_cast %add3A_336 : vector<16xf32> to vector<1x16xf32>
        tpu.vector_store %arg9[%swap3A_339, %swap3A_340], %swap3A_343 {strides = array<i32>} : memref<129x128xf32, #tpu.memory_space<vmem>>, vector<1x16xf32>,
        %get3A_344 = arith.index_cast %scan3A_153 : i32 to index
        %get3A_345 = arith.constant 96 : index
        %get3A_346 = tpu.vector_load %arg8[%get3A_344, %get3A_345] {strides = array<i32>} : memref<256x128xf32, #tpu.memory_space<vmem>>, vector<1x16xf32>,
        %get3A_347 = vector.shape_cast %get3A_346 : vector<1x16xf32> to vector<16xf32>
        %add3A_348 = arith.constant 64 : i32
        %add3A_349 = arith.addi %add3A_348, %scan3A_153 : i32
        %get3A_350 = arith.index_cast %add3A_349 : i32 to index
        %get3A_351 = arith.constant 96 : index
        %get3A_352 = tpu.vector_load %arg8[%get3A_350, %get3A_351] {strides = array<i32>} : memref<256x128xf32, #tpu.memory_space<vmem>>, vector<1x16xf32>,
        %get3A_353 = vector.shape_cast %get3A_352 : vector<1x16xf32> to vector<16xf32>
        %add3A_354 = arith.addf %get3A_347, %get3A_353 : vector<16xf32>
        %add3A_355 = arith.constant 128 : i32
        %add3A_356 = arith.addi %add3A_355, %scan3A_153 : i32
        %get3A_357 = arith.index_cast %add3A_356 : i32 to index
        %get3A_358 = arith.constant 96 : index
        %get3A_359 = tpu.vector_load %arg8[%get3A_357, %get3A_358] {strides = array<i32>} : memref<256x128xf32, #tpu.memory_space<vmem>>, vector<1x16xf32>,
        %get3A_360 = vector.shape_cast %get3A_359 : vector<1x16xf32> to vector<16xf32>
        %add3A_361 = arith.addf %add3A_354, %get3A_360 : vector<16xf32>
        %add3A_362 = arith.constant 192 : i32
        %add3A_363 = arith.addi %add3A_362, %scan3A_153 : i32
        %get3A_364 = arith.index_cast %add3A_363 : i32 to index
        %get3A_365 = arith.constant 96 : index
        %get3A_366 = tpu.vector_load %arg8[%get3A_364, %get3A_365] {strides = array<i32>} : memref<256x128xf32, #tpu.memory_space<vmem>>, vector<1x16xf32>,
        %get3A_367 = vector.shape_cast %get3A_366 : vector<1x16xf32> to vector<16xf32>
        %add3A_368 = arith.addf %add3A_361, %get3A_367 : vector<16xf32>
        %add3A_369 = arith.constant 65 : i32
        %add3A_370 = arith.addi %add3A_369, %scan3A_153 : i32
        %swap3A_371 = arith.index_cast %add3A_370 : i32 to index
        %swap3A_372 = arith.constant 96 : index
        %swap3A_373 = tpu.vector_load %arg9[%swap3A_371, %swap3A_372] {strides = array<i32>} : memref<129x128xf32, #tpu.memory_space<vmem>>, vector<1x16xf32>,
        %swap3A_374 = vector.shape_cast %swap3A_373 : vector<1x16xf32> to vector<16xf32>
        %swap3A_375 = vector.shape_cast %add3A_368 : vector<16xf32> to vector<1x16xf32>
        tpu.vector_store %arg9[%swap3A_371, %swap3A_372], %swap3A_375 {strides = array<i32>} : memref<129x128xf32, #tpu.memory_space<vmem>>, vector<1x16xf32>,
        %get3A_376 = arith.index_cast %scan3A_153 : i32 to index
        %get3A_377 = arith.constant 112 : index
        %get3A_378 = tpu.vector_load %arg8[%get3A_376, %get3A_377] {strides = array<i32>} : memref<256x128xf32, #tpu.memory_space<vmem>>, vector<1x16xf32>,
        %get3A_379 = vector.shape_cast %get3A_378 : vector<1x16xf32> to vector<16xf32>
        %add3A_380 = arith.constant 64 : i32
        %add3A_381 = arith.addi %add3A_380, %scan3A_153 : i32
        %get3A_382 = arith.index_cast %add3A_381 : i32 to index
        %get3A_383 = arith.constant 112 : index
        %get3A_384 = tpu.vector_load %arg8[%get3A_382, %get3A_383] {strides = array<i32>} : memref<256x128xf32, #tpu.memory_space<vmem>>, vector<1x16xf32>,
        %get3A_385 = vector.shape_cast %get3A_384 : vector<1x16xf32> to vector<16xf32>
        %add3A_386 = arith.addf %get3A_379, %get3A_385 : vector<16xf32>
        %add3A_387 = arith.constant 128 : i32
        %add3A_388 = arith.addi %add3A_387, %scan3A_153 : i32
        %get3A_389 = arith.index_cast %add3A_388 : i32 to index
        %get3A_390 = arith.constant 112 : index
        %get3A_391 = tpu.vector_load %arg8[%get3A_389, %get3A_390] {strides = array<i32>} : memref<256x128xf32, #tpu.memory_space<vmem>>, vector<1x16xf32>,
        %get3A_392 = vector.shape_cast %get3A_391 : vector<1x16xf32> to vector<16xf32>
        %add3A_393 = arith.addf %add3A_386, %get3A_392 : vector<16xf32>
        %add3A_394 = arith.constant 192 : i32
        %add3A_395 = arith.addi %add3A_394, %scan3A_153 : i32
        %get3A_396 = arith.index_cast %add3A_395 : i32 to index
        %get3A_397 = arith.constant 112 : index
        %get3A_398 = tpu.vector_load %arg8[%get3A_396, %get3A_397] {strides = array<i32>} : memref<256x128xf32, #tpu.memory_space<vmem>>, vector<1x16xf32>,
        %get3A_399 = vector.shape_cast %get3A_398 : vector<1x16xf32> to vector<16xf32>
        %add3A_400 = arith.addf %add3A_393, %get3A_399 : vector<16xf32>
        %add3A_401 = arith.constant 65 : i32
        %add3A_402 = arith.addi %add3A_401, %scan3A_153 : i32
        %swap3A_403 = arith.index_cast %add3A_402 : i32 to index
        %swap3A_404 = arith.constant 112 : index
        %swap3A_405 = tpu.vector_load %arg9[%swap3A_403, %swap3A_404] {strides = array<i32>} : memref<129x128xf32, #tpu.memory_space<vmem>>, vector<1x16xf32>,
        %swap3A_406 = vector.shape_cast %swap3A_405 : vector<1x16xf32> to vector<16xf32>
        %swap3A_407 = vector.shape_cast %add3A_400 : vector<16xf32> to vector<1x16xf32>
        tpu.vector_store %arg9[%swap3A_403, %swap3A_404], %swap3A_407 {strides = array<i32>} : memref<129x128xf32, #tpu.memory_space<vmem>>, vector<1x16xf32>,
        %scan3A_408 = arith.constant 1 : i32
        %scan3A_409 = arith.addi %scan3A_153, %scan3A_408 : i32
        %get3A_410 = arith.index_cast %scan3A_409 : i32 to index
        %get3A_411 = arith.constant 0 : index
        %get3A_412 = tpu.vector_load %arg8[%get3A_410, %get3A_411] {strides = array<i32>} : memref<256x128xf32, #tpu.memory_space<vmem>>, vector<1x16xf32>,
        %get3A_413 = vector.shape_cast %get3A_412 : vector<1x16xf32> to vector<16xf32>
        %add3A_414 = arith.constant 64 : i32
        %add3A_415 = arith.addi %add3A_414, %scan3A_409 : i32
        %get3A_416 = arith.index_cast %add3A_415 : i32 to index
        %get3A_417 = arith.constant 0 : index
        %get3A_418 = tpu.vector_load %arg8[%get3A_416, %get3A_417] {strides = array<i32>} : memref<256x128xf32, #tpu.memory_space<vmem>>, vector<1x16xf32>,
        %get3A_419 = vector.shape_cast %get3A_418 : vector<1x16xf32> to vector<16xf32>
        %add3A_420 = arith.addf %get3A_413, %get3A_419 : vector<16xf32>
        %add3A_421 = arith.constant 128 : i32
        %add3A_422 = arith.addi %add3A_421, %scan3A_409 : i32
        %get3A_423 = arith.index_cast %add3A_422 : i32 to index
        %get3A_424 = arith.constant 0 : index
        %get3A_425 = tpu.vector_load %arg8[%get3A_423, %get3A_424] {strides = array<i32>} : memref<256x128xf32, #tpu.memory_space<vmem>>, vector<1x16xf32>,
        %get3A_426 = vector.shape_cast %get3A_425 : vector<1x16xf32> to vector<16xf32>
        %add3A_427 = arith.addf %add3A_420, %get3A_426 : vector<16xf32>
        %add3A_428 = arith.constant 192 : i32
        %add3A_429 = arith.addi %add3A_428, %scan3A_409 : i32
        %get3A_430 = arith.index_cast %add3A_429 : i32 to index
        %get3A_431 = arith.constant 0 : index
        %get3A_432 = tpu.vector_load %arg8[%get3A_430, %get3A_431] {strides = array<i32>} : memref<256x128xf32, #tpu.memory_space<vmem>>, vector<1x16xf32>,
        %get3A_433 = vector.shape_cast %get3A_432 : vector<1x16xf32> to vector<16xf32>
        %add3A_434 = arith.addf %add3A_427, %get3A_433 : vector<16xf32>
        %add3A_435 = arith.constant 65 : i32
        %add3A_436 = arith.addi %add3A_435, %scan3A_409 : i32
        %swap3A_437 = arith.index_cast %add3A_436 : i32 to index
        %swap3A_438 = arith.constant 0 : index
        %swap3A_439 = tpu.vector_load %arg9[%swap3A_437, %swap3A_438] {strides = array<i32>} : memref<129x128xf32, #tpu.memory_space<vmem>>, vector<1x16xf32>,
        %swap3A_440 = vector.shape_cast %swap3A_439 : vector<1x16xf32> to vector<16xf32>
        %swap3A_441 = vector.shape_cast %add3A_434 : vector<16xf32> to vector<1x16xf32>
        tpu.vector_store %arg9[%swap3A_437, %swap3A_438], %swap3A_441 {strides = array<i32>} : memref<129x128xf32, #tpu.memory_space<vmem>>, vector<1x16xf32>,
        %get3A_442 = arith.index_cast %scan3A_409 : i32 to index
        %get3A_443 = arith.constant 16 : index
        %get3A_444 = tpu.vector_load %arg8[%get3A_442, %get3A_443] {strides = array<i32>} : memref<256x128xf32, #tpu.memory_space<vmem>>, vector<1x16xf32>,
        %get3A_445 = vector.shape_cast %get3A_444 : vector<1x16xf32> to vector<16xf32>
        %add3A_446 = arith.constant 64 : i32
        %add3A_447 = arith.addi %add3A_446, %scan3A_409 : i32
        %get3A_448 = arith.index_cast %add3A_447 : i32 to index
        %get3A_449 = arith.constant 16 : index
        %get3A_450 = tpu.vector_load %arg8[%get3A_448, %get3A_449] {strides = array<i32>} : memref<256x128xf32, #tpu.memory_space<vmem>>, vector<1x16xf32>,
        %get3A_451 = vector.shape_cast %get3A_450 : vector<1x16xf32> to vector<16xf32>
        %add3A_452 = arith.addf %get3A_445, %get3A_451 : vector<16xf32>
        %add3A_453 = arith.constant 128 : i32
        %add3A_454 = arith.addi %add3A_453, %scan3A_409 : i32
        %get3A_455 = arith.index_cast %add3A_454 : i32 to index
        %get3A_456 = arith.constant 16 : index
        %get3A_457 = tpu.vector_load %arg8[%get3A_455, %get3A_456] {strides = array<i32>} : memref<256x128xf32, #tpu.memory_space<vmem>>, vector<1x16xf32>,
        %get3A_458 = vector.shape_cast %get3A_457 : vector<1x16xf32> to vector<16xf32>
        %add3A_459 = arith.addf %add3A_452, %get3A_458 : vector<16xf32>
        %add3A_460 = arith.constant 192 : i32
        %add3A_461 = arith.addi %add3A_460, %scan3A_409 : i32
        %get3A_462 = arith.index_cast %add3A_461 : i32 to index
        %get3A_463 = arith.constant 16 : index
        %get3A_464 = tpu.vector_load %arg8[%get3A_462, %get3A_463] {strides = array<i32>} : memref<256x128xf32, #tpu.memory_space<vmem>>, vector<1x16xf32>,
        %get3A_465 = vector.shape_cast %get3A_464 : vector<1x16xf32> to vector<16xf32>
        %add3A_466 = arith.addf %add3A_459, %get3A_465 : vector<16xf32>
        %add3A_467 = arith.constant 65 : i32
        %add3A_468 = arith.addi %add3A_467, %scan3A_409 : i32
        %swap3A_469 = arith.index_cast %add3A_468 : i32 to index
        %swap3A_470 = arith.constant 16 : index
        %swap3A_471 = tpu.vector_load %arg9[%swap3A_469, %swap3A_470] {strides = array<i32>} : memref<129x128xf32, #tpu.memory_space<vmem>>, vector<1x16xf32>,
        %swap3A_472 = vector.shape_cast %swap3A_471 : vector<1x16xf32> to vector<16xf32>
        %swap3A_473 = vector.shape_cast %add3A_466 : vector<16xf32> to vector<1x16xf32>
        tpu.vector_store %arg9[%swap3A_469, %swap3A_470], %swap3A_473 {strides = array<i32>} : memref<129x128xf32, #tpu.memory_space<vmem>>, vector<1x16xf32>,
        %get3A_474 = arith.index_cast %scan3A_409 : i32 to index
        %get3A_475 = arith.constant 32 : index
        %get3A_476 = tpu.vector_load %arg8[%get3A_474, %get3A_475] {strides = array<i32>} : memref<256x128xf32, #tpu.memory_space<vmem>>, vector<1x16xf32>,
        %get3A_477 = vector.shape_cast %get3A_476 : vector<1x16xf32> to vector<16xf32>
        %add3A_478 = arith.constant 64 : i32
        %add3A_479 = arith.addi %add3A_478, %scan3A_409 : i32
        %get3A_480 = arith.index_cast %add3A_479 : i32 to index
        %get3A_481 = arith.constant 32 : index
        %get3A_482 = tpu.vector_load %arg8[%get3A_480, %get3A_481] {strides = array<i32>} : memref<256x128xf32, #tpu.memory_space<vmem>>, vector<1x16xf32>,
        %get3A_483 = vector.shape_cast %get3A_482 : vector<1x16xf32> to vector<16xf32>
        %add3A_484 = arith.addf %get3A_477, %get3A_483 : vector<16xf32>
        %add3A_485 = arith.constant 128 : i32
        %add3A_486 = arith.addi %add3A_485, %scan3A_409 : i32
        %get3A_487 = arith.index_cast %add3A_486 : i32 to index
        %get3A_488 = arith.constant 32 : index
        %get3A_489 = tpu.vector_load %arg8[%get3A_487, %get3A_488] {strides = array<i32>} : memref<256x128xf32, #tpu.memory_space<vmem>>, vector<1x16xf32>,
        %get3A_490 = vector.shape_cast %get3A_489 : vector<1x16xf32> to vector<16xf32>
        %add3A_491 = arith.addf %add3A_484, %get3A_490 : vector<16xf32>
        %add3A_492 = arith.constant 192 : i32
        %add3A_493 = arith.addi %add3A_492, %scan3A_409 : i32
        %get3A_494 = arith.index_cast %add3A_493 : i32 to index
        %get3A_495 = arith.constant 32 : index
        %get3A_496 = tpu.vector_load %arg8[%get3A_494, %get3A_495] {strides = array<i32>} : memref<256x128xf32, #tpu.memory_space<vmem>>, vector<1x16xf32>,
        %get3A_497 = vector.shape_cast %get3A_496 : vector<1x16xf32> to vector<16xf32>
        %add3A_498 = arith.addf %add3A_491, %get3A_497 : vector<16xf32>
        %add3A_499 = arith.constant 65 : i32
        %add3A_500 = arith.addi %add3A_499, %scan3A_409 : i32
        %swap3A_501 = arith.index_cast %add3A_500 : i32 to index
        %swap3A_502 = arith.constant 32 : index
        %swap3A_503 = tpu.vector_load %arg9[%swap3A_501, %swap3A_502] {strides = array<i32>} : memref<129x128xf32, #tpu.memory_space<vmem>>, vector<1x16xf32>,
        %swap3A_504 = vector.shape_cast %swap3A_503 : vector<1x16xf32> to vector<16xf32>
        %swap3A_505 = vector.shape_cast %add3A_498 : vector<16xf32> to vector<1x16xf32>
        tpu.vector_store %arg9[%swap3A_501, %swap3A_502], %swap3A_505 {strides = array<i32>} : memref<129x128xf32, #tpu.memory_space<vmem>>, vector<1x16xf32>,
        %get3A_506 = arith.index_cast %scan3A_409 : i32 to index
        %get3A_507 = arith.constant 48 : index
        %get3A_508 = tpu.vector_load %arg8[%get3A_506, %get3A_507] {strides = array<i32>} : memref<256x128xf32, #tpu.memory_space<vmem>>, vector<1x16xf32>,
        %get3A_509 = vector.shape_cast %get3A_508 : vector<1x16xf32> to vector<16xf32>
        %add3A_510 = arith.constant 64 : i32
        %add3A_511 = arith.addi %add3A_510, %scan3A_409 : i32
        %get3A_512 = arith.index_cast %add3A_511 : i32 to index
        %get3A_513 = arith.constant 48 : index
        %get3A_514 = tpu.vector_load %arg8[%get3A_512, %get3A_513] {strides = array<i32>} : memref<256x128xf32, #tpu.memory_space<vmem>>, vector<1x16xf32>,
        %get3A_515 = vector.shape_cast %get3A_514 : vector<1x16xf32> to vector<16xf32>
        %add3A_516 = arith.addf %get3A_509, %get3A_515 : vector<16xf32>
        %add3A_517 = arith.constant 128 : i32
        %add3A_518 = arith.addi %add3A_517, %scan3A_409 : i32
        %get3A_519 = arith.index_cast %add3A_518 : i32 to index
        %get3A_520 = arith.constant 48 : index
        %get3A_521 = tpu.vector_load %arg8[%get3A_519, %get3A_520] {strides = array<i32>} : memref<256x128xf32, #tpu.memory_space<vmem>>, vector<1x16xf32>,
        %get3A_522 = vector.shape_cast %get3A_521 : vector<1x16xf32> to vector<16xf32>
        %add3A_523 = arith.addf %add3A_516, %get3A_522 : vector<16xf32>
        %add3A_524 = arith.constant 192 : i32
        %add3A_525 = arith.addi %add3A_524, %scan3A_409 : i32
        %get3A_526 = arith.index_cast %add3A_525 : i32 to index
        %get3A_527 = arith.constant 48 : index
        %get3A_528 = tpu.vector_load %arg8[%get3A_526, %get3A_527] {strides = array<i32>} : memref<256x128xf32, #tpu.memory_space<vmem>>, vector<1x16xf32>,
        %get3A_529 = vector.shape_cast %get3A_528 : vector<1x16xf32> to vector<16xf32>
        %add3A_530 = arith.addf %add3A_523, %get3A_529 : vector<16xf32>
        %add3A_531 = arith.constant 65 : i32
        %add3A_532 = arith.addi %add3A_531, %scan3A_409 : i32
        %swap3A_533 = arith.index_cast %add3A_532 : i32 to index
        %swap3A_534 = arith.constant 48 : index
        %swap3A_535 = tpu.vector_load %arg9[%swap3A_533, %swap3A_534] {strides = array<i32>} : memref<129x128xf32, #tpu.memory_space<vmem>>, vector<1x16xf32>,
        %swap3A_536 = vector.shape_cast %swap3A_535 : vector<1x16xf32> to vector<16xf32>
        %swap3A_537 = vector.shape_cast %add3A_530 : vector<16xf32> to vector<1x16xf32>
        tpu.vector_store %arg9[%swap3A_533, %swap3A_534], %swap3A_537 {strides = array<i32>} : memref<129x128xf32, #tpu.memory_space<vmem>>, vector<1x16xf32>,
        %get3A_538 = arith.index_cast %scan3A_409 : i32 to index
        %get3A_539 = arith.constant 64 : index
        %get3A_540 = tpu.vector_load %arg8[%get3A_538, %get3A_539] {strides = array<i32>} : memref<256x128xf32, #tpu.memory_space<vmem>>, vector<1x16xf32>,
        %get3A_541 = vector.shape_cast %get3A_540 : vector<1x16xf32> to vector<16xf32>
        %add3A_542 = arith.constant 64 : i32
        %add3A_543 = arith.addi %add3A_542, %scan3A_409 : i32
        %get3A_544 = arith.index_cast %add3A_543 : i32 to index
        %get3A_545 = arith.constant 64 : index
        %get3A_546 = tpu.vector_load %arg8[%get3A_544, %get3A_545] {strides = array<i32>} : memref<256x128xf32, #tpu.memory_space<vmem>>, vector<1x16xf32>,
        %get3A_547 = vector.shape_cast %get3A_546 : vector<1x16xf32> to vector<16xf32>
        %add3A_548 = arith.addf %get3A_541, %get3A_547 : vector<16xf32>
        %add3A_549 = arith.constant 128 : i32
        %add3A_550 = arith.addi %add3A_549, %scan3A_409 : i32
        %get3A_551 = arith.index_cast %add3A_550 : i32 to index
        %get3A_552 = arith.constant 64 : index
        %get3A_553 = tpu.vector_load %arg8[%get3A_551, %get3A_552] {strides = array<i32>} : memref<256x128xf32, #tpu.memory_space<vmem>>, vector<1x16xf32>,
        %get3A_554 = vector.shape_cast %get3A_553 : vector<1x16xf32> to vector<16xf32>
        %add3A_555 = arith.addf %add3A_548, %get3A_554 : vector<16xf32>
        %add3A_556 = arith.constant 192 : i32
        %add3A_557 = arith.addi %add3A_556, %scan3A_409 : i32
        %get3A_558 = arith.index_cast %add3A_557 : i32 to index
        %get3A_559 = arith.constant 64 : index
        %get3A_560 = tpu.vector_load %arg8[%get3A_558, %get3A_559] {strides = array<i32>} : memref<256x128xf32, #tpu.memory_space<vmem>>, vector<1x16xf32>,
        %get3A_561 = vector.shape_cast %get3A_560 : vector<1x16xf32> to vector<16xf32>
        %add3A_562 = arith.addf %add3A_555, %get3A_561 : vector<16xf32>
        %add3A_563 = arith.constant 65 : i32
        %add3A_564 = arith.addi %add3A_563, %scan3A_409 : i32
        %swap3A_565 = arith.index_cast %add3A_564 : i32 to index
        %swap3A_566 = arith.constant 64 : index
        %swap3A_567 = tpu.vector_load %arg9[%swap3A_565, %swap3A_566] {strides = array<i32>} : memref<129x128xf32, #tpu.memory_space<vmem>>, vector<1x16xf32>,
        %swap3A_568 = vector.shape_cast %swap3A_567 : vector<1x16xf32> to vector<16xf32>
        %swap3A_569 = vector.shape_cast %add3A_562 : vector<16xf32> to vector<1x16xf32>
        tpu.vector_store %arg9[%swap3A_565, %swap3A_566], %swap3A_569 {strides = array<i32>} : memref<129x128xf32, #tpu.memory_space<vmem>>, vector<1x16xf32>,
        %get3A_570 = arith.index_cast %scan3A_409 : i32 to index
        %get3A_571 = arith.constant 80 : index
        %get3A_572 = tpu.vector_load %arg8[%get3A_570, %get3A_571] {strides = array<i32>} : memref<256x128xf32, #tpu.memory_space<vmem>>, vector<1x16xf32>,
        %get3A_573 = vector.shape_cast %get3A_572 : vector<1x16xf32> to vector<16xf32>
        %add3A_574 = arith.constant 64 : i32
        %add3A_575 = arith.addi %add3A_574, %scan3A_409 : i32
        %get3A_576 = arith.index_cast %add3A_575 : i32 to index
        %get3A_577 = arith.constant 80 : index
        %get3A_578 = tpu.vector_load %arg8[%get3A_576, %get3A_577] {strides = array<i32>} : memref<256x128xf32, #tpu.memory_space<vmem>>, vector<1x16xf32>,
        %get3A_579 = vector.shape_cast %get3A_578 : vector<1x16xf32> to vector<16xf32>
        %add3A_580 = arith.addf %get3A_573, %get3A_579 : vector<16xf32>
        %add3A_581 = arith.constant 128 : i32
        %add3A_582 = arith.addi %add3A_581, %scan3A_409 : i32
        %get3A_583 = arith.index_cast %add3A_582 : i32 to index
        %get3A_584 = arith.constant 80 : index
        %get3A_585 = tpu.vector_load %arg8[%get3A_583, %get3A_584] {strides = array<i32>} : memref<256x128xf32, #tpu.memory_space<vmem>>, vector<1x16xf32>,
        %get3A_586 = vector.shape_cast %get3A_585 : vector<1x16xf32> to vector<16xf32>
        %add3A_587 = arith.addf %add3A_580, %get3A_586 : vector<16xf32>
        %add3A_588 = arith.constant 192 : i32
        %add3A_589 = arith.addi %add3A_588, %scan3A_409 : i32
        %get3A_590 = arith.index_cast %add3A_589 : i32 to index
        %get3A_591 = arith.constant 80 : index
        %get3A_592 = tpu.vector_load %arg8[%get3A_590, %get3A_591] {strides = array<i32>} : memref<256x128xf32, #tpu.memory_space<vmem>>, vector<1x16xf32>,
        %get3A_593 = vector.shape_cast %get3A_592 : vector<1x16xf32> to vector<16xf32>
        %add3A_594 = arith.addf %add3A_587, %get3A_593 : vector<16xf32>
        %add3A_595 = arith.constant 65 : i32
        %add3A_596 = arith.addi %add3A_595, %scan3A_409 : i32
        %swap3A_597 = arith.index_cast %add3A_596 : i32 to index
        %swap3A_598 = arith.constant 80 : index
        %swap3A_599 = tpu.vector_load %arg9[%swap3A_597, %swap3A_598] {strides = array<i32>} : memref<129x128xf32, #tpu.memory_space<vmem>>, vector<1x16xf32>,
        %swap3A_600 = vector.shape_cast %swap3A_599 : vector<1x16xf32> to vector<16xf32>
        %swap3A_601 = vector.shape_cast %add3A_594 : vector<16xf32> to vector<1x16xf32>
        tpu.vector_store %arg9[%swap3A_597, %swap3A_598], %swap3A_601 {strides = array<i32>} : memref<129x128xf32, #tpu.memory_space<vmem>>, vector<1x16xf32>,
        %get3A_602 = arith.index_cast %scan3A_409 : i32 to index
        %get3A_603 = arith.constant 96 : index
        %get3A_604 = tpu.vector_load %arg8[%get3A_602, %get3A_603] {strides = array<i32>} : memref<256x128xf32, #tpu.memory_space<vmem>>, vector<1x16xf32>,
        %get3A_605 = vector.shape_cast %get3A_604 : vector<1x16xf32> to vector<16xf32>
        %add3A_606 = arith.constant 64 : i32
        %add3A_607 = arith.addi %add3A_606, %scan3A_409 : i32
        %get3A_608 = arith.index_cast %add3A_607 : i32 to index
        %get3A_609 = arith.constant 96 : index
        %get3A_610 = tpu.vector_load %arg8[%get3A_608, %get3A_609] {strides = array<i32>} : memref<256x128xf32, #tpu.memory_space<vmem>>, vector<1x16xf32>,
        %get3A_611 = vector.shape_cast %get3A_610 : vector<1x16xf32> to vector<16xf32>
        %add3A_612 = arith.addf %get3A_605, %get3A_611 : vector<16xf32>
        %add3A_613 = arith.constant 128 : i32
        %add3A_614 = arith.addi %add3A_613, %scan3A_409 : i32
        %get3A_615 = arith.index_cast %add3A_614 : i32 to index
        %get3A_616 = arith.constant 96 : index
        %get3A_617 = tpu.vector_load %arg8[%get3A_615, %get3A_616] {strides = array<i32>} : memref<256x128xf32, #tpu.memory_space<vmem>>, vector<1x16xf32>,
        %get3A_618 = vector.shape_cast %get3A_617 : vector<1x16xf32> to vector<16xf32>
        %add3A_619 = arith.addf %add3A_612, %get3A_618 : vector<16xf32>
        %add3A_620 = arith.constant 192 : i32
        %add3A_621 = arith.addi %add3A_620, %scan3A_409 : i32
        %get3A_622 = arith.index_cast %add3A_621 : i32 to index
        %get3A_623 = arith.constant 96 : index
        %get3A_624 = tpu.vector_load %arg8[%get3A_622, %get3A_623] {strides = array<i32>} : memref<256x128xf32, #tpu.memory_space<vmem>>, vector<1x16xf32>,
        %get3A_625 = vector.shape_cast %get3A_624 : vector<1x16xf32> to vector<16xf32>
        %add3A_626 = arith.addf %add3A_619, %get3A_625 : vector<16xf32>
        %add3A_627 = arith.constant 65 : i32
        %add3A_628 = arith.addi %add3A_627, %scan3A_409 : i32
        %swap3A_629 = arith.index_cast %add3A_628 : i32 to index
        %swap3A_630 = arith.constant 96 : index
        %swap3A_631 = tpu.vector_load %arg9[%swap3A_629, %swap3A_630] {strides = array<i32>} : memref<129x128xf32, #tpu.memory_space<vmem>>, vector<1x16xf32>,
        %swap3A_632 = vector.shape_cast %swap3A_631 : vector<1x16xf32> to vector<16xf32>
        %swap3A_633 = vector.shape_cast %add3A_626 : vector<16xf32> to vector<1x16xf32>
        tpu.vector_store %arg9[%swap3A_629, %swap3A_630], %swap3A_633 {strides = array<i32>} : memref<129x128xf32, #tpu.memory_space<vmem>>, vector<1x16xf32>,
        %get3A_634 = arith.index_cast %scan3A_409 : i32 to index
        %get3A_635 = arith.constant 112 : index
        %get3A_636 = tpu.vector_load %arg8[%get3A_634, %get3A_635] {strides = array<i32>} : memref<256x128xf32, #tpu.memory_space<vmem>>, vector<1x16xf32>,
        %get3A_637 = vector.shape_cast %get3A_636 : vector<1x16xf32> to vector<16xf32>
        %add3A_638 = arith.constant 64 : i32
        %add3A_639 = arith.addi %add3A_638, %scan3A_409 : i32
        %get3A_640 = arith.index_cast %add3A_639 : i32 to index
        %get3A_641 = arith.constant 112 : index
        %get3A_642 = tpu.vector_load %arg8[%get3A_640, %get3A_641] {strides = array<i32>} : memref<256x128xf32, #tpu.memory_space<vmem>>, vector<1x16xf32>,
        %get3A_643 = vector.shape_cast %get3A_642 : vector<1x16xf32> to vector<16xf32>
        %add3A_644 = arith.addf %get3A_637, %get3A_643 : vector<16xf32>
        %add3A_645 = arith.constant 128 : i32
        %add3A_646 = arith.addi %add3A_645, %scan3A_409 : i32
        %get3A_647 = arith.index_cast %add3A_646 : i32 to index
        %get3A_648 = arith.constant 112 : index
        %get3A_649 = tpu.vector_load %arg8[%get3A_647, %get3A_648] {strides = array<i32>} : memref<256x128xf32, #tpu.memory_space<vmem>>, vector<1x16xf32>,
        %get3A_650 = vector.shape_cast %get3A_649 : vector<1x16xf32> to vector<16xf32>
        %add3A_651 = arith.addf %add3A_644, %get3A_650 : vector<16xf32>
        %add3A_652 = arith.constant 192 : i32
        %add3A_653 = arith.addi %add3A_652, %scan3A_409 : i32
        %get3A_654 = arith.index_cast %add3A_653 : i32 to index
        %get3A_655 = arith.constant 112 : index
        %get3A_656 = tpu.vector_load %arg8[%get3A_654, %get3A_655] {strides = array<i32>} : memref<256x128xf32, #tpu.memory_space<vmem>>, vector<1x16xf32>,
        %get3A_657 = vector.shape_cast %get3A_656 : vector<1x16xf32> to vector<16xf32>
        %add3A_658 = arith.addf %add3A_651, %get3A_657 : vector<16xf32>
        %add3A_659 = arith.constant 65 : i32
        %add3A_660 = arith.addi %add3A_659, %scan3A_409 : i32
        %swap3A_661 = arith.index_cast %add3A_660 : i32 to index
        %swap3A_662 = arith.constant 112 : index
        %swap3A_663 = tpu.vector_load %arg9[%swap3A_661, %swap3A_662] {strides = array<i32>} : memref<129x128xf32, #tpu.memory_space<vmem>>, vector<1x16xf32>,
        %swap3A_664 = vector.shape_cast %swap3A_663 : vector<1x16xf32> to vector<16xf32>
        %swap3A_665 = vector.shape_cast %add3A_658 : vector<16xf32> to vector<1x16xf32>
        tpu.vector_store %arg9[%swap3A_661, %swap3A_662], %swap3A_665 {strides = array<i32>} : memref<129x128xf32, #tpu.memory_space<vmem>>, vector<1x16xf32>,
      }
      %scan3A_144 = arith.constant 64 : i32
      %dma_start3A_145 = arith.constant 0 : i32
      %dma_start3A_146 = arith.constant 0 : i32
      %dma_start3A_147 = tpu.memref_slice %arg5[%add3A_42, %dma_start3A_145, %dma_start3A_146] : memref<512x129x128xf32, #tpu.memory_space<hbm>> -> memref<1x129x128xf32, #tpu.memory_space<hbm>>
      %dma_start3A_148 = tpu.memref_squeeze %dma_start3A_147 : memref<1x129x128xf32, #tpu.memory_space<hbm>> -> memref<129x128xf32, #tpu.memory_space<hbm>>
      %dma_start3A_149 = arith.constant 0 : i32
      %dma_start3A_150 = arith.constant 0 : i32
      %dma_start3A_151 = tpu.memref_slice %arg5[%add3A_42, %dma_start3A_149, %dma_start3A_150] : memref<512x129x128xf32, #tpu.memory_space<hbm>> -> memref<1x129x128xf32, #tpu.memory_space<hbm>>
      %dma_start3A_152 = tpu.memref_squeeze %dma_start3A_151 : memref<1x129x128xf32, #tpu.memory_space<hbm>> -> memref<129x128xf32, #tpu.memory_space<hbm>>
      tpu.enqueue_dma source(%arg9 : memref<129x128xf32, #tpu.memory_space<vmem>>) target(%dma_start3A_152 : memref<129x128xf32, #tpu.memory_space<hbm>>) target_semaphore(%arg12 : memref<!tpu.dma_semaphore, #tpu.memory_space<semaphore_mem>>)
    }
    %scan3A_30 = arith.constant 16 : i32
    %add3A_31 = arith.constant 16 : i32
    %add3A_32 = arith.addi %mul3A_2, %add3A_31 : i32
    %sub3A = arith.constant 1 : i32
    %sub3A_33 = arith.subi %add3A_32, %sub3A : i32
    %dma_wait3A = arith.constant 0 : i32
    %dma_wait3A_34 = arith.constant 0 : i32
    %dma_wait3A_35 = tpu.memref_slice %arg5[%sub3A_33, %dma_wait3A, %dma_wait3A_34] : memref<512x129x128xf32, #tpu.memory_space<hbm>> -> memref<1x129x128xf32, #tpu.memory_space<hbm>>
    %dma_wait3A_36 = tpu.memref_squeeze %dma_wait3A_35 : memref<1x129x128xf32, #tpu.memory_space<hbm>> -> memref<129x128xf32, #tpu.memory_space<hbm>>
    %dma_wait3A_37 = arith.constant 0 : i32
    %dma_wait3A_38 = arith.constant 0 : i32
    %dma_wait3A_39 = tpu.memref_slice %arg5[%sub3A_33, %dma_wait3A_37, %dma_wait3A_38] : memref<512x129x128xf32, #tpu.memory_space<hbm>> -> memref<1x129x128xf32, #tpu.memory_space<hbm>>
    %dma_wait3A_40 = tpu.memref_squeeze %dma_wait3A_39 : memref<1x129x128xf32, #tpu.memory_space<hbm>> -> memref<129x128xf32, #tpu.memory_space<hbm>>
    tpu.wait_dma2 semaphore(%arg12 : memref<!tpu.dma_semaphore, #tpu.memory_space<semaphore_mem>>) src(%arg9 : memref<129x128xf32, #tpu.memory_space<vmem>>) dst(%dma_wait3A_40 : memref<129x128xf32, #tpu.memory_space<hbm>>)
    return
  }
}

</mosaic_0001>

<sc_bundles>
// kernel: _sc_call.3.cloned.1.call-start
scs
__scs_entry_jumppad:
0x0: {  	(pc) =	sbr.rel $0x88, $3  }
0x1: {  	(tag) =	ssettag $0x0;
	lr =	simm.s32 $0x1  }
0x2: {  	[smem:$0x3F9E] =	sst lr;
	_ =	strace $0xD0000000  }
0x3: {  	_ = 	snop  }
0x4: {  	_ = 	snop  }
0x5: {  	_ = 	snop  }
0x6: {  	_ = 	snop  }
0x7: {  	_ = 	snop  }
__scs_overlays_trampoline_lowered:
0x8: {  	[smem:$0x3FAD] =	sst s0  }
0x9: {  	[smem:$0x3FAE] =	sst s1  }
0xa: {  	[smem:$0x3FAF] =	sst s2  }
0xb: {  	[smem:$0x3FB0] =	sst s3  }
0xc: {  	[smem:$0x3FB1] =	sst s4  }
0xd: {  	[smem:$0x3FB2] =	sst s5  }
0xe: {  	[smem:$0x3FB3] =	sst s6  }
0xf: {  	[smem:$0x3FB4] =	sst s7  }
0x10: {  	[smem:$0x3FB5] =	sst s8  }
0x11: {  	[smem:$0x3FB6] =	sst s9;
	s0 =	simm.s32 @!p0 $0x0  }
0x12: {  	s1 =	sld [smem:$0x3F9C];
	s0 =	simm.s32 @p0 $0x1  }
0x13: {  	[smem:$0x3FB7] =	sst s0;
	s0 =	simm.s32 @!p1 $0x0  }
0x14: {  	s2 =	sld [smem:$0x3F9B];
	s0 =	simm.s32 @p1 $0x1  }
0x15: {  	[smem:$0x3FB8] =	sst s0;
	s0 =	simm.s32 @!p2 $0x0  }
0x16: {  	s3 =	sld [smem:$0x3FDB];
	s0 =	simm.s32 @p2 $0x1  }
0x17: {  	s4 =	simm.s32 $0x1BF5;
	[smem:$0x3FBA] =	sst s0  }
0x18: {  	s0 =	sld [smem:$0x3F9D];
	_ =	swait.ge [sflag:s4], $0x0  }
0x19: {  	s7 =	sld [smem:$0x3F9E]  }
0x1a: {  	s8 =	sadd.s32 $0xFFFFE003, lr  }
0x1b: {  	s9 =	sadd.s32 $0xFFFFFEF7, lr;
	s5 =	simm.s32 $0xFFFFFFFF;
	p2 =	slt.u32 s8, $0xFFFFF086  }
0x1c: {  	p1 =	slt.u32 s9, $0xF7A;
	s5 =	simm.s32 @!p2 $0x0  }
0x1d: {  	s5 =	simm.s32 @p1 $0x1;
	p0 =	seq.s32 s7, s2  }
0x1e: {  	s7 =	smul.u32 @!p0 $0xF7A, s2;
	p2 =	seq.s32 @!p0 s5, $0x0  }
0x1f: {  	s9 =	smul.u32 $0xF7A, s1;
	s8 =	simm.s32 @!p0 $0x1BF5;
	p2 =	por !p2, p0  }
0x20: {  	[sflag:s8] =	ssyncset.s32 @!p0 $0xFFFFF086;
	s6 =	sadd.s32 @!p0 s3, s7;
	s7 =	simm.s32 @!p0 $0x108  }
0x21: {  	s3 =	sadd.s32 s3, s9;
	s6 =	sadd.s32 @!p0 $0x88, s6;
	s7 =	simm.s32 @p2 $0x1082  }
0x22: {  	[simem:s7], [sflag:s8] =	dma.local @!p0 [hbm:s6], $0xF7A  }
0x23: {  	s9 =	sor.u32 $0xD0000000, s2;
	s6 =	simm.s32 $0x108;
	_ =	swait.ge @!p0 [sflag:s8], $0x0  }
0x24: {  	s3 =	sadd.s32 $0x88, s3;
	s6 =	simm.s32 @!p1 $0x1082;
	[sflag:s4] =	ssyncset.s32 $0xFFFFF086  }
0x25: {  	[simem:s6], [sflag:s4] =	dma.local [hbm:s3], $0xF7A  }
0x26: {  	[smem:$0x3F9E] =	sst s1;
	(tag) =	ssettag s2;
	_ =	strace s9  }
0x27: {  	s1 =	sld [smem:$0x3FAE]  }
0x28: {  	s2 =	sld [smem:$0x3FAF]  }
0x29: {  	s4 =	sld [smem:$0x3FB1]  }
0x2a: {  	p0 =	seq.s32 s5, $0x0;
	s5 =	sld [smem:$0x3FB2]  }
0x2b: {  	s6 =	sld [smem:$0x3FB3]  }
0x2c: {  	s7 =	sld [smem:$0x3FB4]  }
0x2d: {  	s3 =	simm.s32 $0x108;
	s8 =	sld [smem:$0x3FB5]  }
0x2e: {  	s3 =	simm.s32 @!p0 $0x1082;
	s9 =	sld [smem:$0x3FB6]  }
0x2f: {  	lr =	sadd.s32 s0, s3;
	s0 =	sld [smem:$0x3FAD]  }
0x30: {  	s3 =	sld [smem:$0x3FB0]  }
0x31: {  	[smem:$0x3FB9] =	sst s10  }
0x32: {  	s10 =	sld [smem:$0x3FB7];
	_ =	sdelay $0x3  }
0x33: {  	p0 =	seq.s32 s10, $0x1;
	s10 =	sld [smem:$0x3FB9];
	_ =	sdelay $0x3  }
0x34: {  	[smem:$0x3FB9] =	sst s10  }
0x35: {  	s10 =	sld [smem:$0x3FB8];
	_ =	sdelay $0x3  }
0x36: {  	p1 =	seq.s32 s10, $0x1;
	s10 =	sld [smem:$0x3FB9];
	_ =	sdelay $0x3  }
0x37: {  	[smem:$0x3FB9] =	sst s10  }
0x38: {  	s10 =	sld [smem:$0x3FBA]  }
0x39: {  	_ = 	snop;
	(pc) =	sbr.ind lr, $3  }
0x3a: {  	_ = 	snop  }
0x3b: {  	_ = 	snop  }
0x3c: {  	p2 =	seq.s32 s10, $0x1;
	s10 =	sld [smem:$0x3FB9]  }
0x3d: {  	_ =	shalt  }
0x3e: {  	_ =	shalt  }
0x3f: {  	_ =	shalt  }
0x40: {  	_ =	shalt  }
0x41: {  	_ =	shalt  }
0x42: {  	_ =	shalt  }
0x43: {  	_ =	shalt  }
0x44: {  	_ =	shalt  }
0x45: {  	_ =	shalt  }
0x46: {  	_ =	shalt  }
0x47: {  	_ =	shalt  }
0x48: {  	_ =	shalt  }
0x49: {  	_ =	shalt  }
0x4a: {  	_ =	shalt  }
0x4b: {  	_ =	shalt  }
0x4c: {  	_ =	shalt  }
0x4d: {  	_ =	shalt  }
0x4e: {  	_ =	shalt  }
0x4f: {  	_ =	shalt  }
0x50: {  	_ =	shalt  }
0x51: {  	_ =	shalt  }
0x52: {  	_ =	shalt  }
0x53: {  	_ =	shalt  }
0x54: {  	_ =	shalt  }
0x55: {  	_ =	shalt  }
0x56: {  	_ =	shalt  }
0x57: {  	_ =	shalt  }
0x58: {  	_ =	shalt  }
0x59: {  	_ =	shalt  }
0x5a: {  	_ =	shalt  }
0x5b: {  	_ =	shalt  }
0x5c: {  	_ =	shalt  }
0x5d: {  	_ =	shalt  }
0x5e: {  	_ =	shalt  }
0x5f: {  	_ =	shalt  }
0x60: {  	_ =	shalt  }
0x61: {  	_ =	shalt  }
0x62: {  	_ =	shalt  }
0x63: {  	_ =	shalt  }
0x64: {  	_ =	shalt  }
0x65: {  	_ =	shalt  }
0x66: {  	_ =	shalt  }
0x67: {  	_ =	shalt  }
0x68: {  	_ =	shalt  }
0x69: {  	_ =	shalt  }
0x6a: {  	_ =	shalt  }
0x6b: {  	_ =	shalt  }
0x6c: {  	_ =	shalt  }
0x6d: {  	_ =	shalt  }
0x6e: {  	_ =	shalt  }
0x6f: {  	_ =	shalt  }
0x70: {  	_ =	shalt  }
0x71: {  	_ =	shalt  }
0x72: {  	_ =	shalt  }
0x73: {  	_ =	shalt  }
0x74: {  	_ =	shalt  }
0x75: {  	_ =	shalt  }
0x76: {  	_ =	shalt  }
0x77: {  	_ =	shalt  }
0x78: {  	_ =	shalt  }
0x79: {  	_ =	shalt  }
0x7a: {  	_ =	shalt  }
0x7b: {  	_ =	shalt  }
0x7c: {  	_ =	shalt  }
0x7d: {  	_ =	shalt  }
0x7e: {  	_ =	shalt  }
0x7f: {  	_ =	shalt  }
0x80: {  	_ =	shalt  }
0x81: {  	_ =	shalt  }
0x82: {  	_ =	shalt  }
0x83: {  	_ =	shalt  }
0x84: {  	_ =	shalt  }
0x85: {  	_ =	shalt  }
0x86: {  	_ =	shalt  }
0x87: {  	_ =	shalt  }
.Lfunc_end0:
.L_simem_size_0:
called_computation_lowered:
.L_overlay_start_0:
0x88: {  	s2 =	sld [smem:$0x3FD9]  }
0x89: {  	s3 =	sld [smem:$0x3FFE];
	_ =	sdelay $0x1  }
0x8a: {  	s1 =	srdreg.scid  }
0x8b: {  	s0 =	sand.u32 $0x1, s1  }
0x8c: {  	s17 =	sshll.u32 s0, $0xA;
	s2 =	sadd.s32 s3, s2  }
0x8d: {  	s2 =	sadd.s32 s2, s17  }
0x8e: {  	[smem:$0x3FC5] =	sst s2  }
0x8f: {  	_ = 	snop  }
0x90: {  	s2 =	sld [smem:$0x3FC9]  }
0x91: {  	s18 =	sld [smem:$0x3FC8]  }
0x92: {  	s4 =	sld [smem:$0x3FC7];
	(tm) =	ssettm $0x1  }
0x93: {  	s5 =	sld [smem:$0x3FFB];
	_ =	sdelay $0x3  }
0x94: {  	_ =	strace s5  }
0x95: {  	s5 =	sld [smem:$0x3FFC];
	_ =	sdelay $0x3  }
0x96: {  	_ =	strace s5  }
0x97: {  	s5 =	sld [smem:$0x3FFD];
	_ =	sdelay $0x3  }
0x98: {  	_ =	strace s5  }
0x99: {  	_ =	strace $0x8FFFFFFF  }
0x9a: {  	s19 =	sld [smem:$0x3FDB];
	_ =	sdelay $0x1  }
0x9b: {  	s6 =	simm.s32 $_scs_section_size  }
0x9c: {  	s7 =	simm.s32 $_size__tile_overlayer_lowered;
	s8 =	simm.s32 $_tile_overlayer_lowered  }
0x9d: {  	s22 =	simm.s32 $0x1BFF;
	s21 =	sshll.u32 s8, $0x1;
	s5 =	sadd.s32 s6, s19  }
0x9e: {  	s9 =	simm.s32 $0x0;
	s20 =	sshll.u32 s7, $0x1;
	s7 =	sadd.s32 s21, s5  }
0x9f: {  	[timem:s9], [sflag:s22] =	dma.local [hbm:s7], s20  }
0xa0: {  	_ =	swait.ge [sflag:s22], s20  }
0xa1: {  	s6 =	ssub.s32 $0x0, s20;
	[sflag:s22] =	ssyncset.done $0x0  }
0xa2: {  	[sflag:s22] =	ssyncadd.s32 s6;
	_ =	sdelay $0x1  }
0xa3: {  	s23 =	simm.s32 $0x1B8B  }
0xa4: {  	_ =	swait.ge [sflag:s23], $0x1  }
0xa5: {  	[sflag:s23] =	ssyncset.done $0x0  }
0xa6: {  	s25 =	simm.s32 $0x1B8E;
	s24 =	sld [smem:$0x3FFE];
	[sflag:s23] =	ssyncadd.s32 $0xFFFFFFFF  }
0xa7: {  	s26 =	simm.s32 $execute0_lowered;
	[smem:$0x3FD2] =	sst s25  }
0xa8: {  	s7 =	sshll.u32 s26, $0x1;
	_ =	strace $0x80000046;
	[dreg:$0x1] =	wrdreg $0xFFFFFFFF  }
0xa9: {  	s28 =	simm.s32 $_size_execute0_lowered;
	s5 =	sadd.s32 s5, s7;
	[dreg:$0x0] =	wrdreg $0x0  }
0xaa: {  	s7 =	sshll.u32 s28, $0x1;
	[dreg:$0x2] =	wrdreg s5  }
0xab: {  	[dreg:$0x3] =	wrdreg s7  }
0xac: {  	[dreg:$0x4] =	wrdreg $0xC0  }
0xad: {  	_ =	task [dreg:s9], $0x5FFFF  }
0xae: {  	[dreg:$0x1] =	wrdreg $0xFFFFFFFF  }
0xaf: {  	[dreg:$0x0] =	wrdreg $0x60  }
0xb0: {  	[dreg:$0x2] =	wrdreg s2  }
0xb1: {  	[dreg:$0x3] =	wrdreg s18  }
0xb2: {  	[dreg:$0x4] =	wrdreg s4  }
0xb3: {  	[dreg:$0x5] =	wrdreg s24  }
0xb4: {  	[dreg:$0x6] =	wrdreg $0x9  }
0xb5: {  	_ =	task.clear_ibuf [dreg:s9], $0x7FFFF;
	_ =	strace $0x90000046  }
0xb6: {  	s29 =	simm.s32 $0x9;
	_ =	strace $0x80000048  }
0xb7: {  	_ =	swait.ge [sflag:s29], $0x1  }
0xb8: {  	[sflag:s29] =	ssyncadd.s32 $0xFFFFFFFF  }
0xb9: {  	_ =	strace $0x90000048  }
0xba: {  	_ =	sfence  }
0xbb: {  	s30 =	sld [smem:$0x0];
	_ =	sdelay $0x2  }
0xbc: {  	s31 =	sshll.u32 s1, $0xD;
	s1 =	sshrl.u32 s1, $0x2  }
0xbd: {  	s3 =	sand.u32 $0x4000, s31;
	s1 =	sadd.s32 s1, s30  }
0xbe: {  	s0 =	sor.u32 s3, s0;
	s1 =	sshll.u32 s1, $0x11  }
0xbf: {  	s0 =	sor.u32 s1, s0  }
0xc0: {  	s0 =	sadd.s32 $0x8F2B, s0  }
0xc1: {  	[sflag:s0] =	ssyncadd.remote.s32 $0x1  }
0xc2: {  	_ =	sfence.sel $0xFFFF  }
0xc3: {  	[dreg:$0x0] =	wrdreg $0xFFFFFFFF;
	(pc) =	sbr.abs _section_cstart, $3  }
0xc4: {  	[dreg:$0x1] =	wrdreg $0xFFFFFFFF  }
0xc5: {  	_ =	task.clear_ibuf [dreg:s9], $0x2FFFF;
	_ =	strace $0x9FFFFFFF  }
0xc6: {  	(tm) =	ssettm $0x7FFFFFFF  }
0xc7: {  	_ =	shalt  }
tec
execute0_lowered:
.L_overlay_start_1:
0x0: {  	(tag) =	ssettag $0x1  }
0x1: {  	s7 =	rddreg [dreg:$0x0]  }
0x2: {  	s1 =	rddreg [dreg:$0x1]  }
0x3: {  	s2 =	rddreg [dreg:$0x2]  }
0x4: {  	s5 =	rddreg [dreg:$0x3]  }
0x5: {  	s0 =	rddreg [dreg:$0x4]  }
0x6: {  	s4 =	simm.s32 $0x0;
	s6 =	srdreg.scid;
	s3 =	stileid.u32  }
0x7: {  	s11 =	simm.s32 $0x80;
	s12 =	simm.s32 $0x2000;
	s13 =	simm.s32 $0x6000  }
0x8: {  	s14 =	simm.s32 $0xA000;
	s15 =	simm.s32 $0xE000;
	s16 =	simm.s32 $0x1  }
0x9: {  	s17 =	simm.s32 $0x2;
	s18 =	simm.s32 $0x3;
	s19 =	simm.s32 $0x0  }
0xa: {  	[smem:$0x7FF] =	sst s4;
	s6 =	sand.u32 $0x1, s6;
	s8 =	sshll.u32 s3, $0x1  }
0xb: {  	s5 =	sadd.s32 $0x400, s5;
	s9 =	ssub.s32 $0x2, s6;
	s6 =	sor.u32 s6, s8  }
0xc: {  	_ =	strace $0x80000047;
	s31 =	sshrl.u32 s9, $0x1;
	s10 =	sshll.u32 s6, $0xA  }
0xd: {  	s6 =	sshll.u32 s6, $0x4;
	s8 =	ssub.s32 s9, s31;
	s7 =	sadd.s32 s7, s10  }
0xe: {  	s9 =	simm.s32 $0x4;
	s10 =	simm.s32 $0x12000;
	s8 =	smax.u32 s8, $0x1  }
.LBB2_1:
0xf: {  	[tilespmem:s4], [sflag:$0x4] =	stream.linear.gather [hbm4b:s7+s4], $0x2000, $0x38;
	[tilespmem:$0x16400] =	vst v63  }
0x10: {  	_ =	swait.ge [sflag:s9], $0x2000  }
0x11: {  	[sflag:s9] =	ssyncset.done $0x0  }
0x12: {  	[sflag:s9] =	ssyncadd.s32 $0xFFFFE000  }
0x13: {  	[tilespmem:s10], [sflag:$0x4] =	stream.linear.gather [hbm4b:s2+s4], $0x80, $0x38;
	[tilespmem:$0x16400] =	vst v63  }
0x14: {  	_ =	swait.ge [sflag:s9], $0x80  }
0x15: {  	[sflag:s9] =	ssyncset.done $0x0  }
0x16: {  	[sflag:s9] =	ssyncadd.s32 $0xFFFFFF80  }
0x17: {  	[tilespmem:s12], [sflag:$0x1] =	stream.indirect.gather [hbm4b:s1+s11], $0x80, s4, s11, $0xb8;
	[tilespmem:$0x16400] =	vst v63  }
0x18: {  	s20 =	simm.s32 $0x0  }
0x19: {  	[tilespmem:s13], [sflag:$0x1] =	stream.indirect.gather [hbm4b:s1+s11], $0x80, s11, s11, $0xb8;
	[tilespmem:$0x16400] =	vst v63  }
.LBB2_2:
0x1a: {  	s21 =	sshll.u32 s20, $0x9  }
0x1b: {  	s22 =	sand.u32 $0x3FFFFE00, s21  }
0x1c: {  	s21 =	sor.u32 $0x100, s22  }
0x1d: {  	[tilespmem:s14], [sflag:$0x2] =	stream.indirect.gather [hbm4b:s1+s11], $0x80, s21, s11, $0xb8;
	[tilespmem:$0x16400] =	vst v63  }
0x1e: {  	s31 =	sor.u32 $0x180, s22  }
0x1f: {  	[tilespmem:s15], [sflag:$0x2] =	stream.indirect.gather [hbm4b:s1+s11], $0x80, s31, s11, $0xb8;
	[tilespmem:$0x16400] =	vst v63  }
0x20: {  	_ =	swait.ge [sflag:s16], $0x4000  }
0x21: {  	[sflag:s16] =	ssyncset.done $0x0  }
0x22: {  	[sflag:s16] =	ssyncadd.s32 $0xFFFFC000  }
0x23: {  	_ =	swait.ge [sflag:s16], $0x4000  }
0x24: {  	p0 =	seq.s32 s20, $0x0;
	[sflag:s16] =	ssyncset.done $0x0  }
0x25: {  	s21 =	simm.s32 @!p0 $0x3;
	[sflag:s16] =	ssyncadd.s32 $0xFFFFC000  }
0x26: {  	_ =	swait.ge @!p0 [sflag:s21], $0x4080  }
0x27: {  	[sflag:s21] =	ssyncset.done @!p0 $0x0  }
0x28: {  	s23 =	simm.s32 $0x0;
	[sflag:s21] =	ssyncadd.s32 @!p0 $0xFFFFBF80  }
0x29: {  	v0 =	vld [tilespmem:s23+$0x20F0]  }
0x2a: {  	v1 =	vld [tilespmem:s23+$0x40F0]  }
0x2b: {  	v2 =	vld [tilespmem:s23+$0x2000]  }
0x2c: {  	v3 =	vld [tilespmem:s23+$0x60F0]  }
0x2d: {  	v4 =	vld [tilespmem:s23+$0x4000]  }
0x2e: {  	v5 =	vld [tilespmem:s23+$0x80F0]  }
0x2f: {  	v6 =	vld [tilespmem:s23+$0x2010]  }
0x30: {  	v7 =	vld [tilespmem:s23+$0x2020]  }
0x31: {  	v8 =	vld [tilespmem:s23+$0x2030]  }
0x32: {  	v9 =	vld [tilespmem:s23+$0x2040]  }
0x33: {  	v10 =	vld [tilespmem:s23+$0x2050]  }
0x34: {  	v11 =	vld [tilespmem:s23+$0x4050]  }
0x35: {  	v12 =	vld [tilespmem:s23+$0x2060]  }
0x36: {  	v13 =	vld [tilespmem:s23+$0x4060]  }
0x37: {  	v14 =	vld [tilespmem:s23+$0x2070]  }
0x38: {  	v15 =	vld [tilespmem:s23+$0x4070]  }
0x39: {  	v16 =	vld [tilespmem:s23+$0x2080]  }
0x3a: {  	v17 =	vld [tilespmem:s23+$0x4080]  }
0x3b: {  	v18 =	vld [tilespmem:s23+$0x2090]  }
0x3c: {  	v19 =	vld [tilespmem:s23+$0x4090]  }
0x3d: {  	v20 =	vld [tilespmem:s23+$0x20A0]  }
0x3e: {  	v21 =	vld [tilespmem:s23+$0x40A0]  }
0x3f: {  	v22 =	vld [tilespmem:s23+$0x20B0]  }
0x40: {  	v23 =	vld [tilespmem:s23+$0x40B0]  }
0x41: {  	v24 =	vld [tilespmem:s23+$0x20C0]  }
0x42: {  	v25 =	vld [tilespmem:s23+$0x40C0]  }
0x43: {  	v26 =	vld [tilespmem:s23+$0x20D0]  }
0x44: {  	v27 =	vld [tilespmem:s23+$0x40D0]  }
0x45: {  	v28 =	vld [tilespmem:s23+$0x20E0]  }
0x46: {  	v29 =	vld [tilespmem:s23+$0x40E0]  }
0x47: {  	v30 =	vld [tilespmem:s23+$0x6000]  }
0x48: {  	v31 =	vld [tilespmem:s23+$0x6010]  }
0x49: {  	v32 =	vld [tilespmem:s23+$0x6020]  }
0x4a: {  	v33 =	vld [tilespmem:s23+$0x6030]  }
0x4b: {  	v34 =	vld [tilespmem:s23+$0x6040]  }
0x4c: {  	v35 =	vld [tilespmem:s23+$0x6050]  }
0x4d: {  	v36 =	vld [tilespmem:s23+$0x6060]  }
0x4e: {  	v37 =	vld [tilespmem:s23+$0x6070]  }
0x4f: {  	v38 =	vld [tilespmem:s23+$0x6080]  }
0x50: {  	v39 =	vld [tilespmem:s23+$0x6090];
	v0 =	vadd.f32 v1, v0  }
0x51: {  	v45 =	vld [tilespmem:s23+$0x8000]  }
0x52: {  	v1 =	vld [tilespmem:s23+$0x4010];
	v2 =	vadd.f32 v4, v2;
	v0 =	vadd.f32 v3, v0  }
0x53: {  	v3 =	vld [tilespmem:s23+$0x4020]  }
0x54: {  	v2 =	vadd.f32 v30, v2;
	v0 =	vadd.f32 v5, v0;
	v5 =	vld [tilespmem:s23+$0x4030]  }
0x55: {  	v40 =	vld [tilespmem:s23+$0x60A0];
	v61 =	vadd.f32 v25, v24  }
0x56: {  	v4 =	vld [tilespmem:s23+$0x8010];
	v62 =	vadd.f32 v27, v26;
	v2 =	vadd.f32 v45, v2  }
0x57: {  	v63 =	vadd.f32 v29, v28;
	v1 =	vadd.f32 v1, v6;
	v6 =	vld [tilespmem:s23+$0x8020];
	[tilespmem:s23+$0x12170] =	vst v0  }
0x58: {  	v0 =	vld [tilespmem:s23+$0x4040];
	[tilespmem:s23+$0x12080] =	vst v2;
	v2 =	vadd.f32 v17, v16;
	v3 =	vadd.f32 v3, v7  }
0x59: {  	v41 =	vld [tilespmem:s23+$0x60B0];
	v1 =	vadd.f32 v31, v1;
	v5 =	vadd.f32 v5, v8  }
0x5a: {  	v42 =	vld [tilespmem:s23+$0x60C0];
	v8 =	vadd.f32 v11, v10;
	v11 =	vadd.f32 v13, v12  }
0x5b: {  	v7 =	vld [tilespmem:s23+$0x8030];
	v12 =	vadd.f32 v15, v14;
	v3 =	vadd.f32 v32, v3  }
0x5c: {  	v10 =	vld [tilespmem:s23+$0x8050];
	v1 =	vadd.f32 v4, v1;
	v4 =	vadd.f32 v19, v18  }
0x5d: {  	v0 =	vadd.f32 v0, v9;
	v9 =	vld [tilespmem:s23+$0x8040];
	v3 =	vadd.f32 v6, v3  }
0x5e: {  	v43 =	vld [tilespmem:s23+$0x60D0];
	v15 =	vadd.f32 v23, v22;
	v5 =	vadd.f32 v33, v5;
	[tilespmem:s23+$0x12090] =	vst v1  }
0x5f: {  	v13 =	vld [tilespmem:s23+$0x8060];
	v1 =	vadd.f32 v21, v20;
	[tilespmem:s23+$0x120A0] =	vst v3;
	v3 =	vadd.f32 v35, v8  }
0x60: {  	v44 =	vld [tilespmem:s23+$0x60E0];
	v0 =	vadd.f32 v34, v0;
	v5 =	vadd.f32 v7, v5  }
0x61: {  	v14 =	vld [tilespmem:s23+$0x8070];
	v3 =	vadd.f32 v10, v3;
	v10 =	vadd.f32 v38, v2  }
0x62: {  	v60 =	vld [tilespmem:s23+$0x8080];
	v0 =	vadd.f32 v9, v0;
	v9 =	vadd.f32 v36, v11  }
0x63: {  	v6 =	vld [tilespmem:s23+$0x8090];
	[tilespmem:s23+$0x120B0] =	vst v5;
	v5 =	vadd.f32 v39, v4;
	v4 =	vadd.f32 v40, v1  }
0x64: {  	v7 =	vld [tilespmem:s23+$0x80A0];
	v11 =	vadd.f32 v37, v12;
	v12 =	vadd.f32 v13, v9  }
0x65: {  	v8 =	vld [tilespmem:s23+$0x80B0];
	v2 =	vadd.f32 v42, v61;
	v1 =	vadd.f32 v43, v62;
	[tilespmem:s23+$0x120D0] =	vst v3  }
0x66: {  	v3 =	vadd.f32 v41, v15;
	v9 =	vld [tilespmem:s23+$0x80C0];
	[tilespmem:s23+$0x120E0] =	vst v12;
	v12 =	vadd.f32 v14, v11  }
0x67: {  	s24 =	simm.s32 $0x0;
	s25 =	simm.s32 $0x400;
	s21 =	sadd.s32 s6, s20;
	[tilespmem:s23+$0x120C0] =	vst v0;
	v0 =	vadd.f32 v44, v63;
	v11 =	vadd.f32 v60, v10;
	v10 =	vld [tilespmem:s23+$0x80D0]  }
.LBB2_3:
0x68: {  	s26 =	sshra.s32 s25, $0x2;
	[tilespmem:s23+$0x120F0] =	vst v12;
	v5 =	vadd.f32 v6, v5;
	v6 =	vld [tilespmem:s23+$0x80E0]  }
0x69: {  	s24 =	sadd.s32 $0x2, s24;
	v12 =	vld [tilespmem:s26+$0x20F0];
	[tilespmem:s23+$0x12100] =	vst v11;
	v4 =	vadd.f32 v7, v4  }
0x6a: {  	p0 =	slt.u32 s24, $0x3E;
	v7 =	vld [tilespmem:s26+$0x40F0];
	[tilespmem:s23+$0x12110] =	vst v5;
	v3 =	vadd.f32 v8, v3  }
0x6b: {  	v5 =	vld [tilespmem:s26+$0x2000];
	[tilespmem:s23+$0x12120] =	vst v4;
	v2 =	vadd.f32 v9, v2  }
0x6c: {  	v4 =	vld [tilespmem:s26+$0x60F0];
	[tilespmem:s23+$0x12130] =	vst v3;
	v1 =	vadd.f32 v10, v1  }
0x6d: {  	v3 =	vld [tilespmem:s26+$0x4000];
	[tilespmem:s23+$0x12140] =	vst v2;
	v0 =	vadd.f32 v6, v0  }
0x6e: {  	v2 =	vld [tilespmem:s26+$0x80F0];
	[tilespmem:s23+$0x12150] =	vst v1  }
0x6f: {  	v1 =	vld [tilespmem:s26+$0x2010];
	v6 =	vadd.f32 v7, v12;
	[tilespmem:s23+$0x12160] =	vst v0;
	s23 =	smov.u32 s26  }
0x70: {  	v0 =	vld [tilespmem:s23+$0x4010]  }
0x71: {  	v7 =	vld [tilespmem:s23+$0x2020];
	v4 =	vadd.f32 v4, v6  }
0x72: {  	v3 =	vadd.f32 v3, v5;
	v5 =	vld [tilespmem:s23+$0x4020]  }
0x73: {  	v6 =	vld [tilespmem:s23+$0x2030];
	v2 =	vadd.f32 v2, v4  }
0x74: {  	v4 =	vld [tilespmem:s23+$0x4030]  }
0x75: {  	v0 =	vadd.f32 v0, v1;
	v1 =	vld [tilespmem:s23+$0x2040];
	[tilespmem:s23+$0x12170] =	vst v2  }
0x76: {  	v2 =	vld [tilespmem:s23+$0x4040]  }
0x77: {  	v5 =	vadd.f32 v5, v7;
	v7 =	vld [tilespmem:s23+$0x2050]  }
0x78: {  	v8 =	vld [tilespmem:s23+$0x4050]  }
0x79: {  	v4 =	vadd.f32 v4, v6;
	v6 =	vld [tilespmem:s23+$0x2060]  }
0x7a: {  	v9 =	vld [tilespmem:s23+$0x4060]  }
0x7b: {  	v1 =	vadd.f32 v2, v1;
	v2 =	vld [tilespmem:s23+$0x2070]  }
0x7c: {  	v10 =	vld [tilespmem:s23+$0x4070]  }
0x7d: {  	v7 =	vadd.f32 v8, v7;
	v8 =	vld [tilespmem:s23+$0x2080]  }
0x7e: {  	v11 =	vld [tilespmem:s23+$0x4080]  }
0x7f: {  	v6 =	vadd.f32 v9, v6;
	v9 =	vld [tilespmem:s23+$0x2090]  }
0x80: {  	v12 =	vld [tilespmem:s23+$0x4090]  }
0x81: {  	v2 =	vadd.f32 v10, v2;
	v10 =	vld [tilespmem:s23+$0x20A0]  }
0x82: {  	v13 =	vld [tilespmem:s23+$0x40A0]  }
0x83: {  	v8 =	vadd.f32 v11, v8;
	v11 =	vld [tilespmem:s23+$0x20B0]  }
0x84: {  	v14 =	vld [tilespmem:s23+$0x40B0]  }
0x85: {  	v9 =	vadd.f32 v12, v9;
	v12 =	vld [tilespmem:s23+$0x20C0]  }
0x86: {  	v15 =	vld [tilespmem:s23+$0x40C0]  }
0x87: {  	v10 =	vadd.f32 v13, v10;
	v13 =	vld [tilespmem:s23+$0x20D0]  }
0x88: {  	v16 =	vld [tilespmem:s23+$0x40D0]  }
0x89: {  	v11 =	vadd.f32 v14, v11;
	v14 =	vld [tilespmem:s23+$0x20E0]  }
0x8a: {  	v17 =	vld [tilespmem:s23+$0x40E0]  }
0x8b: {  	v18 =	vld [tilespmem:s23+$0x6000];
	v12 =	vadd.f32 v15, v12  }
0x8c: {  	v15 =	vld [tilespmem:s23+$0x6010]  }
0x8d: {  	v19 =	vld [tilespmem:s23+$0x6020];
	v13 =	vadd.f32 v16, v13  }
0x8e: {  	v16 =	vld [tilespmem:s23+$0x6030]  }
0x8f: {  	v20 =	vld [tilespmem:s23+$0x6040];
	v14 =	vadd.f32 v17, v14  }
0x90: {  	v17 =	vadd.f32 v18, v3;
	v3 =	vld [tilespmem:s23+$0x6050]  }
0x91: {  	v15 =	vadd.f32 v15, v0;
	v0 =	vld [tilespmem:s23+$0x6060]  }
0x92: {  	v18 =	vadd.f32 v19, v5;
	v5 =	vld [tilespmem:s23+$0x6070]  }
0x93: {  	v16 =	vadd.f32 v16, v4;
	v4 =	vld [tilespmem:s23+$0x6080]  }
0x94: {  	v19 =	vadd.f32 v20, v1;
	v1 =	vld [tilespmem:s23+$0x6090]  }
0x95: {  	v7 =	vadd.f32 v3, v7;
	v3 =	vld [tilespmem:s23+$0x60A0]  }
0x96: {  	v20 =	vadd.f32 v0, v6;
	v0 =	vld [tilespmem:s23+$0x60B0]  }
0x97: {  	v21 =	vadd.f32 v5, v2;
	v2 =	vld [tilespmem:s23+$0x60C0]  }
0x98: {  	v22 =	vadd.f32 v4, v8;
	v6 =	vld [tilespmem:s23+$0x60D0]  }
0x99: {  	v5 =	vadd.f32 v1, v9;
	v8 =	vld [tilespmem:s23+$0x60E0]  }
0x9a: {  	v9 =	vld [tilespmem:s23+$0x8000];
	v4 =	vadd.f32 v3, v10  }
0x9b: {  	v10 =	vld [tilespmem:s23+$0x8010];
	v3 =	vadd.f32 v0, v11  }
0x9c: {  	v11 =	vld [tilespmem:s23+$0x8020];
	v2 =	vadd.f32 v2, v12  }
0x9d: {  	v12 =	vld [tilespmem:s23+$0x8030];
	v1 =	vadd.f32 v6, v13  }
0x9e: {  	v6 =	vld [tilespmem:s23+$0x8040];
	v0 =	vadd.f32 v8, v14  }
0x9f: {  	v8 =	vadd.f32 v9, v17;
	v9 =	vld [tilespmem:s23+$0x8050]  }
0xa0: {  	v10 =	vadd.f32 v10, v15;
	v13 =	vld [tilespmem:s23+$0x8060]  }
0xa1: {  	[tilespmem:s23+$0x12080] =	vst v8;
	v8 =	vadd.f32 v11, v18;
	v11 =	vld [tilespmem:s23+$0x8070]  }
0xa2: {  	[tilespmem:s23+$0x12090] =	vst v10;
	v10 =	vadd.f32 v12, v16;
	v14 =	vld [tilespmem:s23+$0x8080]  }
.Ltmp0:
0xa3: {  	[tilespmem:s23+$0x120A0] =	vst v8;
	v8 =	vadd.f32 v6, v19;
	v6 =	vld [tilespmem:s23+$0x8090];
	(pc) =	sbr.rel @p0 .LBB2_3-.Ltmp0, $4  }
0xa4: {  	[tilespmem:s23+$0x120B0] =	vst v10;
	v9 =	vadd.f32 v9, v7;
	v7 =	vld [tilespmem:s23+$0x80A0]  }
0xa5: {  	[tilespmem:s23+$0x120C0] =	vst v8;
	v10 =	vadd.f32 v13, v20;
	v8 =	vld [tilespmem:s23+$0x80B0]  }
0xa6: {  	[tilespmem:s23+$0x120D0] =	vst v9;
	v12 =	vadd.f32 v11, v21;
	v9 =	vld [tilespmem:s23+$0x80C0]  }
0xa7: {  	s25 =	sadd.s32 $0x400, s25;
	[tilespmem:s23+$0x120E0] =	vst v10;
	v11 =	vadd.f32 v14, v22;
	v10 =	vld [tilespmem:s23+$0x80D0]  }
0xa8: {  	[tilespmem:s23+$0x120F0] =	vst v12;
	v5 =	vadd.f32 v6, v5;
	v6 =	vld [tilespmem:s23+$0x80E0]  }
0xa9: {  	[tilespmem:s23+$0x12100] =	vst v11;
	v4 =	vadd.f32 v7, v4  }
0xaa: {  	[tilespmem:s23+$0x12110] =	vst v5;
	v3 =	vadd.f32 v8, v3  }
0xab: {  	[tilespmem:s23+$0x12120] =	vst v4;
	v2 =	vadd.f32 v9, v2  }
0xac: {  	[tilespmem:s23+$0x12130] =	vst v3;
	v1 =	vadd.f32 v10, v1  }
0xad: {  	[tilespmem:s23+$0x12140] =	vst v2;
	v0 =	vadd.f32 v6, v0  }
0xae: {  	p0 =	seq.s32 s20, $0xF;
	[tilespmem:s23+$0x12150] =	vst v1  }
0xaf: {  	s24 =	simm.s32 @!p0 $0x80;
	s25 =	simm.s32 @!p0 $0x2000;
	[tilespmem:s23+$0x12160] =	vst v0;
	s23 =	sadd.s32 @!p0 $0x200, s22  }
0xb0: {  	[tilespmem:s25], [sflag:$0x1] =	stream.indirect.gather @!p0 [hbm4b:s1+s24], $0x80, s23, s24, $0xb8;
	[tilespmem:$0x16400] =	vst v63  }
0xb1: {  	s22 =	sadd.s32 @!p0 $0x280, s22;
	s23 =	simm.s32 @!p0 $0x6000  }
0xb2: {  	[tilespmem:s23], [sflag:$0x1] =	stream.indirect.gather @!p0 [hbm4b:s1+s24], $0x80, s22, s24, $0xb8;
	[tilespmem:$0x16400] =	vst v63  }
0xb3: {  	_ =	swait.ge [sflag:s17], $0x4000  }
0xb4: {  	[sflag:s17] =	ssyncset.done $0x0  }
0xb5: {  	[sflag:s17] =	ssyncadd.s32 $0xFFFFC000  }
0xb6: {  	_ =	swait.ge [sflag:s17], $0x4000  }
0xb7: {  	[sflag:s17] =	ssyncset.done $0x0  }
0xb8: {  	s22 =	simm.s32 $0x0;
	[sflag:s17] =	ssyncadd.s32 $0xFFFFC000  }
0xb9: {  	v0 =	vld [tilespmem:s22+$0xA0F0]  }
0xba: {  	v1 =	vld [tilespmem:s22+$0xC0F0]  }
0xbb: {  	v2 =	vld [tilespmem:s22+$0xA000]  }
0xbc: {  	v3 =	vld [tilespmem:s22+$0xE0F0]  }
0xbd: {  	v4 =	vld [tilespmem:s22+$0xC000]  }
0xbe: {  	v5 =	vld [tilespmem:s22+$0x100F0]  }
0xbf: {  	v6 =	vld [tilespmem:s22+$0xA010]  }
0xc0: {  	v7 =	vld [tilespmem:s22+$0xA020]  }
0xc1: {  	v8 =	vld [tilespmem:s22+$0xA030]  }
0xc2: {  	v9 =	vld [tilespmem:s22+$0xA040]  }
0xc3: {  	v10 =	vld [tilespmem:s22+$0xA050]  }
0xc4: {  	v11 =	vld [tilespmem:s22+$0xC050]  }
0xc5: {  	v12 =	vld [tilespmem:s22+$0xA060]  }
0xc6: {  	v13 =	vld [tilespmem:s22+$0xC060]  }
0xc7: {  	v14 =	vld [tilespmem:s22+$0xA070]  }
0xc8: {  	v15 =	vld [tilespmem:s22+$0xC070]  }
0xc9: {  	v16 =	vld [tilespmem:s22+$0xA080]  }
0xca: {  	v17 =	vld [tilespmem:s22+$0xC080]  }
0xcb: {  	v18 =	vld [tilespmem:s22+$0xA090]  }
0xcc: {  	v19 =	vld [tilespmem:s22+$0xC090]  }
0xcd: {  	v20 =	vld [tilespmem:s22+$0xA0A0]  }
0xce: {  	v21 =	vld [tilespmem:s22+$0xC0A0]  }
0xcf: {  	v22 =	vld [tilespmem:s22+$0xA0B0]  }
0xd0: {  	v23 =	vld [tilespmem:s22+$0xC0B0]  }
0xd1: {  	v24 =	vld [tilespmem:s22+$0xA0C0]  }
0xd2: {  	v25 =	vld [tilespmem:s22+$0xC0C0]  }
0xd3: {  	v26 =	vld [tilespmem:s22+$0xA0D0]  }
0xd4: {  	v27 =	vld [tilespmem:s22+$0xC0D0]  }
0xd5: {  	v28 =	vld [tilespmem:s22+$0xA0E0]  }
0xd6: {  	v29 =	vld [tilespmem:s22+$0xC0E0]  }
0xd7: {  	v30 =	vld [tilespmem:s22+$0xE000]  }
0xd8: {  	v31 =	vld [tilespmem:s22+$0xE010]  }
0xd9: {  	v32 =	vld [tilespmem:s22+$0xE020]  }
0xda: {  	v33 =	vld [tilespmem:s22+$0xE030]  }
0xdb: {  	v34 =	vld [tilespmem:s22+$0xE040]  }
0xdc: {  	v35 =	vld [tilespmem:s22+$0xE050]  }
0xdd: {  	v36 =	vld [tilespmem:s22+$0xE060]  }
0xde: {  	v37 =	vld [tilespmem:s22+$0xE070]  }
0xdf: {  	v38 =	vld [tilespmem:s22+$0xE080]  }
0xe0: {  	v39 =	vld [tilespmem:s22+$0xE090];
	v0 =	vadd.f32 v1, v0  }
0xe1: {  	v45 =	vld [tilespmem:s22+$0x10000]  }
0xe2: {  	v1 =	vld [tilespmem:s22+$0xC010];
	v2 =	vadd.f32 v4, v2;
	v0 =	vadd.f32 v3, v0  }
0xe3: {  	v3 =	vld [tilespmem:s22+$0xC020]  }
0xe4: {  	v2 =	vadd.f32 v30, v2;
	v0 =	vadd.f32 v5, v0;
	v5 =	vld [tilespmem:s22+$0xC030]  }
0xe5: {  	v40 =	vld [tilespmem:s22+$0xE0A0];
	v61 =	vadd.f32 v25, v24  }
0xe6: {  	v4 =	vld [tilespmem:s22+$0x10010];
	v62 =	vadd.f32 v27, v26;
	v2 =	vadd.f32 v45, v2  }
0xe7: {  	v63 =	vadd.f32 v29, v28;
	v1 =	vadd.f32 v1, v6;
	v6 =	vld [tilespmem:s22+$0x10020];
	[tilespmem:s22+$0x14170] =	vst v0  }
0xe8: {  	v0 =	vld [tilespmem:s22+$0xC040];
	[tilespmem:s22+$0x14080] =	vst v2;
	v2 =	vadd.f32 v17, v16;
	v3 =	vadd.f32 v3, v7  }
0xe9: {  	v41 =	vld [tilespmem:s22+$0xE0B0];
	v1 =	vadd.f32 v31, v1;
	v5 =	vadd.f32 v5, v8  }
0xea: {  	v42 =	vld [tilespmem:s22+$0xE0C0];
	v8 =	vadd.f32 v11, v10;
	v11 =	vadd.f32 v13, v12  }
0xeb: {  	v7 =	vld [tilespmem:s22+$0x10030];
	v12 =	vadd.f32 v15, v14;
	v3 =	vadd.f32 v32, v3  }
0xec: {  	v10 =	vld [tilespmem:s22+$0x10050];
	v1 =	vadd.f32 v4, v1;
	v4 =	vadd.f32 v19, v18  }
0xed: {  	v0 =	vadd.f32 v0, v9;
	v9 =	vld [tilespmem:s22+$0x10040];
	v3 =	vadd.f32 v6, v3  }
0xee: {  	v43 =	vld [tilespmem:s22+$0xE0D0];
	v15 =	vadd.f32 v23, v22;
	v5 =	vadd.f32 v33, v5;
	[tilespmem:s22+$0x14090] =	vst v1  }
0xef: {  	v13 =	vld [tilespmem:s22+$0x10060];
	v1 =	vadd.f32 v21, v20;
	[tilespmem:s22+$0x140A0] =	vst v3;
	v3 =	vadd.f32 v35, v8  }
0xf0: {  	v44 =	vld [tilespmem:s22+$0xE0E0];
	v0 =	vadd.f32 v34, v0;
	v5 =	vadd.f32 v7, v5  }
0xf1: {  	v14 =	vld [tilespmem:s22+$0x10070];
	v3 =	vadd.f32 v10, v3;
	v10 =	vadd.f32 v38, v2  }
0xf2: {  	v60 =	vld [tilespmem:s22+$0x10080];
	v0 =	vadd.f32 v9, v0;
	v9 =	vadd.f32 v36, v11  }
0xf3: {  	v6 =	vld [tilespmem:s22+$0x10090];
	[tilespmem:s22+$0x140B0] =	vst v5;
	v5 =	vadd.f32 v39, v4;
	v4 =	vadd.f32 v40, v1  }
0xf4: {  	v7 =	vld [tilespmem:s22+$0x100A0];
	v11 =	vadd.f32 v37, v12;
	v12 =	vadd.f32 v13, v9  }
0xf5: {  	v8 =	vld [tilespmem:s22+$0x100B0];
	v2 =	vadd.f32 v42, v61;
	v1 =	vadd.f32 v43, v62;
	[tilespmem:s22+$0x140D0] =	vst v3  }
0xf6: {  	v3 =	vadd.f32 v41, v15;
	v9 =	vld [tilespmem:s22+$0x100C0];
	[tilespmem:s22+$0x140E0] =	vst v12;
	v12 =	vadd.f32 v14, v11  }
0xf7: {  	s23 =	simm.s32 $0x0;
	s24 =	simm.s32 $0x400;
	[tilespmem:s22+$0x140C0] =	vst v0;
	v0 =	vadd.f32 v44, v63;
	v11 =	vadd.f32 v60, v10;
	v10 =	vld [tilespmem:s22+$0x100D0]  }
.LBB2_5:
0xf8: {  	s25 =	sshra.s32 s24, $0x2;
	[tilespmem:s22+$0x140F0] =	vst v12;
	v5 =	vadd.f32 v6, v5;
	v6 =	vld [tilespmem:s22+$0x100E0]  }
0xf9: {  	s23 =	sadd.s32 $0x2, s23;
	v12 =	vld [tilespmem:s25+$0xA0F0];
	[tilespmem:s22+$0x14100] =	vst v11;
	v4 =	vadd.f32 v7, v4  }
0xfa: {  	p0 =	slt.u32 s23, $0x3E;
	v7 =	vld [tilespmem:s25+$0xC0F0];
	[tilespmem:s22+$0x14110] =	vst v5;
	v3 =	vadd.f32 v8, v3  }
0xfb: {  	v5 =	vld [tilespmem:s25+$0xA000];
	[tilespmem:s22+$0x14120] =	vst v4;
	v2 =	vadd.f32 v9, v2  }
0xfc: {  	v4 =	vld [tilespmem:s25+$0xE0F0];
	[tilespmem:s22+$0x14130] =	vst v3;
	v1 =	vadd.f32 v10, v1  }
0xfd: {  	v3 =	vld [tilespmem:s25+$0xC000];
	[tilespmem:s22+$0x14140] =	vst v2;
	v0 =	vadd.f32 v6, v0  }
0xfe: {  	v2 =	vld [tilespmem:s25+$0x100F0];
	[tilespmem:s22+$0x14150] =	vst v1  }
0xff: {  	v1 =	vld [tilespmem:s25+$0xA010];
	v6 =	vadd.f32 v7, v12;
	[tilespmem:s22+$0x14160] =	vst v0;
	s22 =	smov.u32 s25  }
0x100: {  	v0 =	vld [tilespmem:s22+$0xC010]  }
0x101: {  	v7 =	vld [tilespmem:s22+$0xA020];
	v4 =	vadd.f32 v4, v6  }
0x102: {  	v3 =	vadd.f32 v3, v5;
	v5 =	vld [tilespmem:s22+$0xC020]  }
0x103: {  	v6 =	vld [tilespmem:s22+$0xA030];
	v2 =	vadd.f32 v2, v4  }
0x104: {  	v4 =	vld [tilespmem:s22+$0xC030]  }
0x105: {  	v0 =	vadd.f32 v0, v1;
	v1 =	vld [tilespmem:s22+$0xA040];
	[tilespmem:s22+$0x14170] =	vst v2  }
0x106: {  	v2 =	vld [tilespmem:s22+$0xC040]  }
0x107: {  	v5 =	vadd.f32 v5, v7;
	v7 =	vld [tilespmem:s22+$0xA050]  }
0x108: {  	v8 =	vld [tilespmem:s22+$0xC050]  }
0x109: {  	v4 =	vadd.f32 v4, v6;
	v6 =	vld [tilespmem:s22+$0xA060]  }
0x10a: {  	v9 =	vld [tilespmem:s22+$0xC060]  }
0x10b: {  	v1 =	vadd.f32 v2, v1;
	v2 =	vld [tilespmem:s22+$0xA070]  }
0x10c: {  	v10 =	vld [tilespmem:s22+$0xC070]  }
0x10d: {  	v7 =	vadd.f32 v8, v7;
	v8 =	vld [tilespmem:s22+$0xA080]  }
0x10e: {  	v11 =	vld [tilespmem:s22+$0xC080]  }
0x10f: {  	v6 =	vadd.f32 v9, v6;
	v9 =	vld [tilespmem:s22+$0xA090]  }
0x110: {  	v12 =	vld [tilespmem:s22+$0xC090]  }
0x111: {  	v2 =	vadd.f32 v10, v2;
	v10 =	vld [tilespmem:s22+$0xA0A0]  }
0x112: {  	v13 =	vld [tilespmem:s22+$0xC0A0]  }
0x113: {  	v8 =	vadd.f32 v11, v8;
	v11 =	vld [tilespmem:s22+$0xA0B0]  }
0x114: {  	v14 =	vld [tilespmem:s22+$0xC0B0]  }
0x115: {  	v9 =	vadd.f32 v12, v9;
	v12 =	vld [tilespmem:s22+$0xA0C0]  }
0x116: {  	v15 =	vld [tilespmem:s22+$0xC0C0]  }
0x117: {  	v10 =	vadd.f32 v13, v10;
	v13 =	vld [tilespmem:s22+$0xA0D0]  }
0x118: {  	v16 =	vld [tilespmem:s22+$0xC0D0]  }
0x119: {  	v11 =	vadd.f32 v14, v11;
	v14 =	vld [tilespmem:s22+$0xA0E0]  }
0x11a: {  	v17 =	vld [tilespmem:s22+$0xC0E0]  }
0x11b: {  	v18 =	vld [tilespmem:s22+$0xE000];
	v12 =	vadd.f32 v15, v12  }
0x11c: {  	v15 =	vld [tilespmem:s22+$0xE010]  }
0x11d: {  	v19 =	vld [tilespmem:s22+$0xE020];
	v13 =	vadd.f32 v16, v13  }
0x11e: {  	v16 =	vld [tilespmem:s22+$0xE030]  }
0x11f: {  	v20 =	vld [tilespmem:s22+$0xE040];
	v14 =	vadd.f32 v17, v14  }
0x120: {  	v17 =	vadd.f32 v18, v3;
	v3 =	vld [tilespmem:s22+$0xE050]  }
0x121: {  	v15 =	vadd.f32 v15, v0;
	v0 =	vld [tilespmem:s22+$0xE060]  }
0x122: {  	v18 =	vadd.f32 v19, v5;
	v5 =	vld [tilespmem:s22+$0xE070]  }
0x123: {  	v16 =	vadd.f32 v16, v4;
	v4 =	vld [tilespmem:s22+$0xE080]  }
0x124: {  	v19 =	vadd.f32 v20, v1;
	v1 =	vld [tilespmem:s22+$0xE090]  }
0x125: {  	v7 =	vadd.f32 v3, v7;
	v3 =	vld [tilespmem:s22+$0xE0A0]  }
0x126: {  	v20 =	vadd.f32 v0, v6;
	v0 =	vld [tilespmem:s22+$0xE0B0]  }
0x127: {  	v21 =	vadd.f32 v5, v2;
	v2 =	vld [tilespmem:s22+$0xE0C0]  }
0x128: {  	v22 =	vadd.f32 v4, v8;
	v6 =	vld [tilespmem:s22+$0xE0D0]  }
0x129: {  	v5 =	vadd.f32 v1, v9;
	v8 =	vld [tilespmem:s22+$0xE0E0]  }
0x12a: {  	v9 =	vld [tilespmem:s22+$0x10000];
	v4 =	vadd.f32 v3, v10  }
0x12b: {  	v10 =	vld [tilespmem:s22+$0x10010];
	v3 =	vadd.f32 v0, v11  }
0x12c: {  	v11 =	vld [tilespmem:s22+$0x10020];
	v2 =	vadd.f32 v2, v12  }
0x12d: {  	v12 =	vld [tilespmem:s22+$0x10030];
	v1 =	vadd.f32 v6, v13  }
0x12e: {  	v6 =	vld [tilespmem:s22+$0x10040];
	v0 =	vadd.f32 v8, v14  }
0x12f: {  	v8 =	vadd.f32 v9, v17;
	v9 =	vld [tilespmem:s22+$0x10050]  }
0x130: {  	v10 =	vadd.f32 v10, v15;
	v13 =	vld [tilespmem:s22+$0x10060]  }
0x131: {  	[tilespmem:s22+$0x14080] =	vst v8;
	v8 =	vadd.f32 v11, v18;
	v11 =	vld [tilespmem:s22+$0x10070]  }
0x132: {  	[tilespmem:s22+$0x14090] =	vst v10;
	v10 =	vadd.f32 v12, v16;
	v14 =	vld [tilespmem:s22+$0x10080]  }
.Ltmp1:
0x133: {  	[tilespmem:s22+$0x140A0] =	vst v8;
	v8 =	vadd.f32 v6, v19;
	v6 =	vld [tilespmem:s22+$0x10090];
	(pc) =	sbr.rel @p0 .LBB2_5-.Ltmp1, $4  }
0x134: {  	[tilespmem:s22+$0x140B0] =	vst v10;
	v9 =	vadd.f32 v9, v7;
	v7 =	vld [tilespmem:s22+$0x100A0]  }
0x135: {  	[tilespmem:s22+$0x140C0] =	vst v8;
	v10 =	vadd.f32 v13, v20;
	v8 =	vld [tilespmem:s22+$0x100B0]  }
0x136: {  	[tilespmem:s22+$0x140D0] =	vst v9;
	v12 =	vadd.f32 v11, v21;
	v9 =	vld [tilespmem:s22+$0x100C0]  }
0x137: {  	s24 =	sadd.s32 $0x400, s24;
	[tilespmem:s22+$0x140E0] =	vst v10;
	v11 =	vadd.f32 v14, v22;
	v10 =	vld [tilespmem:s22+$0x100D0]  }
0x138: {  	[tilespmem:s22+$0x140F0] =	vst v12;
	v5 =	vadd.f32 v6, v5;
	v63 =	vld [tilespmem:s22+$0x100E0]  }
0x139: {  	[tilespmem:s22+$0x14100] =	vst v11;
	v4 =	vadd.f32 v7, v4  }
0x13a: {  	s20 =	sadd.s32 $0x1, s20;
	[tilespmem:s22+$0x14110] =	vst v5;
	v3 =	vadd.f32 v8, v3  }
0x13b: {  	p0 =	sne.s32 s20, $0x10;
	[tilespmem:s22+$0x14120] =	vst v4;
	v2 =	vadd.f32 v9, v2  }
.Ltmp2:
0x13c: {  	[tilespmem:s22+$0x14130] =	vst v3;
	v1 =	vadd.f32 v10, v1;
	(pc) =	sbr.rel @p0 .LBB2_2-.Ltmp2, $4  }
0x13d: {  	s21 =	smul.u32 $0x880, s21;
	[tilespmem:s22+$0x14140] =	vst v2;
	v0 =	vadd.f32 v63, v0  }
0x13e: {  	[tilespmem:s22+$0x14150] =	vst v1  }
0x13f: {  	s21 =	sadd.s32 s5, s21;
	[tilespmem:s22+$0x14160] =	vst v0  }
0x140: {  	[hbm4b:s21+s4] =	stream.linear.scatter [tilespmem:s10], [sflag:$0x3], $0x4080, $0x38;
	[tilespmem:$0x16400] =	vst v63  }
0x141: {  	s19 =	sadd.s32 $0x1, s19  }
0x142: {  	p0 =	sne.s32 s19, s8  }
.Ltmp3:
0x143: {  	_ = 	snop;
	(pc) =	sbr.rel @p0 .LBB2_1-.Ltmp3, $4  }
0x144: {  	_ = 	snop  }
0x145: {  	_ =	swait.ge [sflag:s18], $0x4080  }
0x146: {  	[sflag:s18] =	ssyncset.done $0x0  }
0x147: {  	[sflag:s18] =	ssyncadd.s32 $0xFFFFBF80  }
0x148: {  	_ =	sfence.sel $0x180000  }
0x149: {  	[bflag:$0x0] =	sbarrier.arrive $0xFFFF  }
0x14a: {  	p0 =	sne.s32 s3, $0x0;
	_ =	strace $0x90000047  }
0x14b: {  	s0 =	sadd.s32 @!p0 $0x100000, s0;
	[bflag:$0x2] =	sbarrier.arrive $0xFFFF  }
0x14c: {  	[sflag:s0] =	ssyncadd.tile.s32 @!p0 $0x1;
	_ =	shalt  }
.Lfunc_end2:
_tile_overlayer_lowered:
.L_overlay_start_2:
0x14d: {  	(tag) =	ssettag $0x2  }
0x14e: {  	s0 =	rddreg [dreg:$0x0];
	s2 =	stileid.u32  }
0x14f: {  	s1 =	rddreg [dreg:$0x1];
	p0 =	sne.s32 s2, $0x0  }
0x150: {  	s3 =	rddreg [dreg:$0x2];
	[bflag:$0x3] =	sbarrier.arrive $0xFFFF;
	s2 =	simm.s32 @!p0 $0x1C04  }
0x151: {  	[timem:s3], [sflag:s2] =	dma.local @!p0 [hbm:s0], s1  }
0x152: {  	s0 =	simm.s32 @!p0 $0x4  }
0x153: {  	_ =	swait.ge @!p0 [sflag:s0], s1  }
0x154: {  	s1 =	ssub.s32 @!p0 $0x0, s1;
	[sflag:s0] =	ssyncset.done @!p0 $0x0  }
0x155: {  	[sflag:s0] =	ssyncadd.s32 @!p0 s1  }
0x156: {  	[bflag:$0x3] =	sbarrier.arrive $0xFFFF  }
0x157: {  	_ =	shalt  }

</sc_bundles>
